<compile_context>
chip_gen: v7x
topology: tpu7x:2x2x1
jax: 0.10.2.dev20260603
libtpu: 0.0.44.dev20260713+nightly
codegen_flags: <defaults>
</compile_context>

<pallas_src>
import jax
import jax.numpy as jnp
from jax import lax
from jax.experimental import pallas as pl
from jax.experimental.pallas import tpu as pltpu
from jax.experimental.pallas import tpu_sc as plsc

NC = 2
NS = 16
NW = NC * NS
LANES = 16

B = 4096
L = 200
D = 64
SEQ_PER_W = B // NW


def _body(x_hbm, tok_hbm, pos_hbm, out_hbm,
          idx_v, idxA, idxB, rows_v, pos_v, gsem, osem):
    cid = lax.axis_index("c")
    sid = lax.axis_index("s")
    wid = sid * NC + cid
    b0 = wid * SEQ_PER_W

    pltpu.sync_copy(pos_hbm, pos_v)
    pltpu.sync_copy(x_hbm.at[pl.ds(b0, SEQ_PER_W // 2)], idx_v)

    def build_idx(bl, s):
        r = bl & (SEQ_PER_W // 2 - 1)
        for k in range(8):
            idxA[s, pl.ds(16 * k, LANES)] = idx_v[r, pl.ds(16 * k, LANES)]
        for srco, dsto in ((128, 0), (144, 16), (160, 32), (176, 48), (184, 56)):
            idxB[s, pl.ds(dsto, LANES)] = idx_v[r, pl.ds(srco, LANES)]

    def fire_gather(bl, s):
        build_idx(bl, s)
        pltpu.async_copy(
            tok_hbm.at[idxA.at[s]],
            rows_v.at[pl.ds(s * L, 128)],
            gsem.at[s],
        )
        pltpu.async_copy(
            tok_hbm.at[idxB.at[s]],
            rows_v.at[pl.ds(s * L + 128, L - 128)],
            gsem.at[s],
        )

    def wait_gather(p):
        pltpu.make_async_copy(
            tok_hbm.at[idxA.at[0]],
            rows_v.at[pl.ds(p * L, 128)],
            gsem.at[p],
        ).wait()
        pltpu.make_async_copy(
            tok_hbm.at[idxB.at[0]],
            rows_v.at[pl.ds(p * L + 128, L - 128)],
            gsem.at[p],
        ).wait()

    def fire_out(bl, p):
        return pltpu.async_copy(
            rows_v.at[pl.ds(p * L, L)],
            out_hbm.at[b0 + bl],
            osem.at[p],
        )

    def wait_out(p):
        pltpu.make_async_copy(
            rows_v.at[pl.ds(p * L, L)],
            out_hbm.at[0],
            osem.at[p],
        ).wait()

    def add_pos(p):
        row0 = p * L

        @plsc.parallel_loop(0, L, step=1, unroll=8)
        def rbody(r):
            for j in range(D // LANES):
                rows_v[row0 + r, pl.ds(16 * j, LANES)] = (
                    rows_v[row0 + r, pl.ds(16 * j, LANES)]
                    + pos_v[r, pl.ds(16 * j, LANES)]
                )

    fire_gather(0, 0)
    fire_gather(1, 1)
    wait_gather(0)
    add_pos(0)
    fire_out(0, 0)
    fire_gather(2, 2)
    wait_gather(1)
    add_pos(1)
    fire_out(1, 1)
    wait_out(0)
    fire_gather(3, 0)

    def step(bl, car):
        @pl.when(bl == SEQ_PER_W // 2 - 2)
        def _():
            pltpu.sync_copy(
                x_hbm.at[pl.ds(b0 + SEQ_PER_W // 2, SEQ_PER_W // 2)], idx_v
            )

        s = bl % 3
        wait_gather(s)
        add_pos(s)
        fire_out(bl, s)
        snx = (bl + 2) % 3
        wait_out(snx)
        fire_gather(jnp.minimum(bl + 2, SEQ_PER_W - 1), snx)
        return car

    lax.fori_loop(2, SEQ_PER_W, step, 0)

    wait_gather((SEQ_PER_W) % 3)
    wait_gather((SEQ_PER_W + 1) % 3)
    wait_out((SEQ_PER_W - 1) % 3)


@jax.jit
def kernel(x, token_table, pos_table):
    mesh = plsc.VectorSubcoreMesh(core_axis_name="c", subcore_axis_name="s")
    tok_pad = jnp.pad(token_table, ((0, 0), (0, 2 * D - token_table.shape[1])))
    out128 = pl.kernel(
        _body,
        mesh=mesh,
        out_type=jax.ShapeDtypeStruct((B, L, 2 * D), jnp.float32),
        compiler_params=pltpu.CompilerParams(
            use_tc_tiling_on_sc=True, needs_layout_passes=False
        ),
        scratch_types=[
            pltpu.VMEM((SEQ_PER_W // 2, L), jnp.int32),
            pltpu.VMEM((3, 128), jnp.int32),
            pltpu.VMEM((3, L - 128), jnp.int32),
            pltpu.VMEM((3 * L, 2 * D), jnp.float32),
            pltpu.VMEM((L, D), jnp.float32),
            pltpu.SemaphoreType.DMA((3,)),
            pltpu.SemaphoreType.DMA((3,)),
        ],
    )(x.astype(jnp.int32), tok_pad, pos_table)
    return out128[:, :, :D]

# --- scband reference (transcript-rebuilt; emitter-appended) ---
"""Pipeline reference for scband-token-and-position-embedding-90194313216217 (READ-ONLY COPY).

The authoritative reference and input builder live on the scoring server;
editing this copy changes nothing except your own understanding.
"""

import jax, jax.numpy as jnp
import numpy as np

VOCAB_SIZE = 100000
MAXLEN = 200
EMBED_DIM = 64
BATCH = 4096

def setup_inputs(seed: int = 0) -> dict:
    key = jax.random.key(seed)
    k_x, k_tok, k_pos = jax.random.split(key, 3)
    x = jax.random.randint(k_x, (BATCH, MAXLEN), 0, VOCAB_SIZE, dtype=jnp.int64 if jax.config.jax_enable_x64 else jnp.int32)
    token_table = jax.random.normal(k_tok, (VOCAB_SIZE, EMBED_DIM), dtype=jnp.float32) * 0.05
    pos_table = jax.random.normal(k_pos, (MAXLEN, EMBED_DIM), dtype=jnp.float32) * 0.05
    return {"x": x, "token_table": token_table, "pos_table": pos_table}

def reference(x, token_table, pos_table):
    # token embedding lookup
    tok = jnp.take(token_table, x, axis=0)           # [B, L, D]
    # position embedding: positions = range(maxlen)
    maxlen = x.shape[-1]
    positions = jnp.arange(maxlen)
    pos = jnp.take(pos_table, positions, axis=0)     # [L, D]
    return tok + pos[None, :, :]

if __name__ == "__main__":
    import jax
    _d = setup_inputs()
    print(jax.jit(kernel)(*tuple(_d.values())))

</pallas_src>

<mosaic_0001>
#map = affine_map<(d0, d1) -> (0, 0)>
#map1 = affine_map<(d0, d1) -> (0, 0, 0)>
module attributes {stable_mosaic.version = 14 : i64} {
  func.func @_body(%arg0: i32, %arg1: i32, %arg2: memref<4096x200xi32, #tpu.memory_space<hbm>>, %arg3: memref<100000x128xf32, #tpu.memory_space<hbm>>, %arg4: memref<200x64xf32, #tpu.memory_space<hbm>>, %arg5: memref<4096x200x128xf32, #tpu.memory_space<hbm>>, %arg6: memref<64x200xi32, #tpu.memory_space<vmem>>, %arg7: memref<3x128xi32, #tpu.memory_space<vmem>>, %arg8: memref<3x72xi32, #tpu.memory_space<vmem>>, %arg9: memref<600x128xf32, #tpu.memory_space<vmem>>, %arg10: memref<200x64xf32, #tpu.memory_space<vmem>>, %arg11: memref<3x!tpu.dma_semaphore, #tpu.memory_space<semaphore_mem>>, %arg12: memref<3x!tpu.dma_semaphore, #tpu.memory_space<semaphore_mem>>) attributes {dimension_semantics = [#tpu.dimension_semantics<core_parallel>, #tpu.dimension_semantics<subcore_parallel>], iteration_bounds = array<i64: 2, 16>, scalar_prefetch = 0 : i64, scratch_operands = 7 : i64, tpu.core_type = #tpu.core_type<sc_vector_subcore>, window_params = [{transform_indices = #map}, {transform_indices = #map}, {transform_indices = #map}, {transform_indices = #map1}]} {
    %mul3A = arith.constant 2 : i32
    %mul3A_0 = arith.muli %arg1, %mul3A : i32
    %add3A = arith.addi %mul3A_0, %arg0 : i32
    %mul3A_1 = arith.constant 128 : i32
    %mul3A_2 = arith.muli %add3A, %mul3A_1 : i32
    "tpu.region"() ({
      %run_scoped3A = tpu.sem_alloc : memref<!tpu.dma_semaphore, #tpu.memory_space<semaphore_mem>>
      tpu.enqueue_dma source(%arg4 : memref<200x64xf32, #tpu.memory_space<hbm>>) target(%arg10 : memref<200x64xf32, #tpu.memory_space<vmem>>) target_semaphore(%run_scoped3A : memref<!tpu.dma_semaphore, #tpu.memory_space<semaphore_mem>>)
      tpu.wait_dma2 semaphore(%run_scoped3A : memref<!tpu.dma_semaphore, #tpu.memory_space<semaphore_mem>>) src(%arg4 : memref<200x64xf32, #tpu.memory_space<hbm>>) dst(%arg10 : memref<200x64xf32, #tpu.memory_space<vmem>>)
      tpu.yield
    }) : () -> ()
    "tpu.region"() ({
      %run_scoped3A = tpu.sem_alloc : memref<!tpu.dma_semaphore, #tpu.memory_space<semaphore_mem>>
      %dma_start3A_707 = arith.constant 0 : i32
      %dma_start3A_708 = tpu.memref_slice %arg2[%mul3A_2, %dma_start3A_707] : memref<4096x200xi32, #tpu.memory_space<hbm>> -> memref<64x200xi32, #tpu.memory_space<hbm>>
      %dma_start3A_709 = arith.constant 0 : i32
      %dma_start3A_710 = tpu.memref_slice %arg2[%mul3A_2, %dma_start3A_709] : memref<4096x200xi32, #tpu.memory_space<hbm>> -> memref<64x200xi32, #tpu.memory_space<hbm>>
      tpu.enqueue_dma source(%dma_start3A_710 : memref<64x200xi32, #tpu.memory_space<hbm>>) target(%arg6 : memref<64x200xi32, #tpu.memory_space<vmem>>) target_semaphore(%run_scoped3A : memref<!tpu.dma_semaphore, #tpu.memory_space<semaphore_mem>>)
      %dma_wait3A_711 = arith.constant 0 : i32
      %dma_wait3A_712 = tpu.memref_slice %arg2[%mul3A_2, %dma_wait3A_711] : memref<4096x200xi32, #tpu.memory_space<hbm>> -> memref<64x200xi32, #tpu.memory_space<hbm>>
      %dma_wait3A_713 = arith.constant 0 : i32
      %dma_wait3A_714 = tpu.memref_slice %arg2[%mul3A_2, %dma_wait3A_713] : memref<4096x200xi32, #tpu.memory_space<hbm>> -> memref<64x200xi32, #tpu.memory_space<hbm>>
      tpu.wait_dma2 semaphore(%run_scoped3A : memref<!tpu.dma_semaphore, #tpu.memory_space<semaphore_mem>>) src(%dma_wait3A_714 : memref<64x200xi32, #tpu.memory_space<hbm>>) dst(%arg6 : memref<64x200xi32, #tpu.memory_space<vmem>>)
      tpu.yield
    }) : () -> ()
    %get3A = arith.constant 0 : i32
    %get3A_3 = arith.index_cast %get3A : i32 to index
    %get3A_4 = arith.constant 0 : index
    %get3A_5 = tpu.vector_load %arg6[%get3A_3, %get3A_4] {strides = array<i32>} : memref<64x200xi32, #tpu.memory_space<vmem>>, vector<16xi32>,
    %swap3A = arith.constant 0 : i32
    %swap3A_6 = arith.index_cast %swap3A : i32 to index
    %swap3A_7 = arith.constant 0 : index
    %swap3A_8 = tpu.vector_load %arg7[%swap3A_6, %swap3A_7] {strides = array<i32>} : memref<3x128xi32, #tpu.memory_space<vmem>>, vector<16xi32>,
    tpu.vector_store %arg7[%swap3A_6, %swap3A_7], %get3A_5 {strides = array<i32>} : memref<3x128xi32, #tpu.memory_space<vmem>>, vector<16xi32>,
    %get3A_9 = arith.constant 0 : i32
    %get3A_10 = arith.index_cast %get3A_9 : i32 to index
    %get3A_11 = arith.constant 16 : index
    %get3A_12 = tpu.vector_load %arg6[%get3A_10, %get3A_11] {strides = array<i32>} : memref<64x200xi32, #tpu.memory_space<vmem>>, vector<16xi32>,
    %swap3A_13 = arith.constant 0 : i32
    %swap3A_14 = arith.index_cast %swap3A_13 : i32 to index
    %swap3A_15 = arith.constant 16 : index
    %swap3A_16 = tpu.vector_load %arg7[%swap3A_14, %swap3A_15] {strides = array<i32>} : memref<3x128xi32, #tpu.memory_space<vmem>>, vector<16xi32>,
    tpu.vector_store %arg7[%swap3A_14, %swap3A_15], %get3A_12 {strides = array<i32>} : memref<3x128xi32, #tpu.memory_space<vmem>>, vector<16xi32>,
    %get3A_17 = arith.constant 0 : i32
    %get3A_18 = arith.index_cast %get3A_17 : i32 to index
    %get3A_19 = arith.constant 32 : index
    %get3A_20 = tpu.vector_load %arg6[%get3A_18, %get3A_19] {strides = array<i32>} : memref<64x200xi32, #tpu.memory_space<vmem>>, vector<16xi32>,
    %swap3A_21 = arith.constant 0 : i32
    %swap3A_22 = arith.index_cast %swap3A_21 : i32 to index
    %swap3A_23 = arith.constant 32 : index
    %swap3A_24 = tpu.vector_load %arg7[%swap3A_22, %swap3A_23] {strides = array<i32>} : memref<3x128xi32, #tpu.memory_space<vmem>>, vector<16xi32>,
    tpu.vector_store %arg7[%swap3A_22, %swap3A_23], %get3A_20 {strides = array<i32>} : memref<3x128xi32, #tpu.memory_space<vmem>>, vector<16xi32>,
    %get3A_25 = arith.constant 0 : i32
    %get3A_26 = arith.index_cast %get3A_25 : i32 to index
    %get3A_27 = arith.constant 48 : index
    %get3A_28 = tpu.vector_load %arg6[%get3A_26, %get3A_27] {strides = array<i32>} : memref<64x200xi32, #tpu.memory_space<vmem>>, vector<16xi32>,
    %swap3A_29 = arith.constant 0 : i32
    %swap3A_30 = arith.index_cast %swap3A_29 : i32 to index
    %swap3A_31 = arith.constant 48 : index
    %swap3A_32 = tpu.vector_load %arg7[%swap3A_30, %swap3A_31] {strides = array<i32>} : memref<3x128xi32, #tpu.memory_space<vmem>>, vector<16xi32>,
    tpu.vector_store %arg7[%swap3A_30, %swap3A_31], %get3A_28 {strides = array<i32>} : memref<3x128xi32, #tpu.memory_space<vmem>>, vector<16xi32>,
    %get3A_33 = arith.constant 0 : i32
    %get3A_34 = arith.index_cast %get3A_33 : i32 to index
    %get3A_35 = arith.constant 64 : index
    %get3A_36 = tpu.vector_load %arg6[%get3A_34, %get3A_35] {strides = array<i32>} : memref<64x200xi32, #tpu.memory_space<vmem>>, vector<16xi32>,
    %swap3A_37 = arith.constant 0 : i32
    %swap3A_38 = arith.index_cast %swap3A_37 : i32 to index
    %swap3A_39 = arith.constant 64 : index
    %swap3A_40 = tpu.vector_load %arg7[%swap3A_38, %swap3A_39] {strides = array<i32>} : memref<3x128xi32, #tpu.memory_space<vmem>>, vector<16xi32>,
    tpu.vector_store %arg7[%swap3A_38, %swap3A_39], %get3A_36 {strides = array<i32>} : memref<3x128xi32, #tpu.memory_space<vmem>>, vector<16xi32>,
    %get3A_41 = arith.constant 0 : i32
    %get3A_42 = arith.index_cast %get3A_41 : i32 to index
    %get3A_43 = arith.constant 80 : index
    %get3A_44 = tpu.vector_load %arg6[%get3A_42, %get3A_43] {strides = array<i32>} : memref<64x200xi32, #tpu.memory_space<vmem>>, vector<16xi32>,
    %swap3A_45 = arith.constant 0 : i32
    %swap3A_46 = arith.index_cast %swap3A_45 : i32 to index
    %swap3A_47 = arith.constant 80 : index
    %swap3A_48 = tpu.vector_load %arg7[%swap3A_46, %swap3A_47] {strides = array<i32>} : memref<3x128xi32, #tpu.memory_space<vmem>>, vector<16xi32>,
    tpu.vector_store %arg7[%swap3A_46, %swap3A_47], %get3A_44 {strides = array<i32>} : memref<3x128xi32, #tpu.memory_space<vmem>>, vector<16xi32>,
    %get3A_49 = arith.constant 0 : i32
    %get3A_50 = arith.index_cast %get3A_49 : i32 to index
    %get3A_51 = arith.constant 96 : index
    %get3A_52 = tpu.vector_load %arg6[%get3A_50, %get3A_51] {strides = array<i32>} : memref<64x200xi32, #tpu.memory_space<vmem>>, vector<16xi32>,
    %swap3A_53 = arith.constant 0 : i32
    %swap3A_54 = arith.index_cast %swap3A_53 : i32 to index
    %swap3A_55 = arith.constant 96 : index
    %swap3A_56 = tpu.vector_load %arg7[%swap3A_54, %swap3A_55] {strides = array<i32>} : memref<3x128xi32, #tpu.memory_space<vmem>>, vector<16xi32>,
    tpu.vector_store %arg7[%swap3A_54, %swap3A_55], %get3A_52 {strides = array<i32>} : memref<3x128xi32, #tpu.memory_space<vmem>>, vector<16xi32>,
    %get3A_57 = arith.constant 0 : i32
    %get3A_58 = arith.index_cast %get3A_57 : i32 to index
    %get3A_59 = arith.constant 112 : index
    %get3A_60 = tpu.vector_load %arg6[%get3A_58, %get3A_59] {strides = array<i32>} : memref<64x200xi32, #tpu.memory_space<vmem>>, vector<16xi32>,
    %swap3A_61 = arith.constant 0 : i32
    %swap3A_62 = arith.index_cast %swap3A_61 : i32 to index
    %swap3A_63 = arith.constant 112 : index
    %swap3A_64 = tpu.vector_load %arg7[%swap3A_62, %swap3A_63] {strides = array<i32>} : memref<3x128xi32, #tpu.memory_space<vmem>>, vector<16xi32>,
    tpu.vector_store %arg7[%swap3A_62, %swap3A_63], %get3A_60 {strides = array<i32>} : memref<3x128xi32, #tpu.memory_space<vmem>>, vector<16xi32>,
    %get3A_65 = arith.constant 0 : i32
    %get3A_66 = arith.index_cast %get3A_65 : i32 to index
    %get3A_67 = arith.constant 128 : index
    %get3A_68 = tpu.vector_load %arg6[%get3A_66, %get3A_67] {strides = array<i32>} : memref<64x200xi32, #tpu.memory_space<vmem>>, vector<16xi32>,
    %swap3A_69 = arith.constant 0 : i32
    %swap3A_70 = arith.index_cast %swap3A_69 : i32 to index
    %swap3A_71 = arith.constant 0 : index
    %swap3A_72 = tpu.vector_load %arg8[%swap3A_70, %swap3A_71] {strides = array<i32>} : memref<3x72xi32, #tpu.memory_space<vmem>>, vector<16xi32>,
    tpu.vector_store %arg8[%swap3A_70, %swap3A_71], %get3A_68 {strides = array<i32>} : memref<3x72xi32, #tpu.memory_space<vmem>>, vector<16xi32>,
    %get3A_73 = arith.constant 0 : i32
    %get3A_74 = arith.index_cast %get3A_73 : i32 to index
    %get3A_75 = arith.constant 144 : index
    %get3A_76 = tpu.vector_load %arg6[%get3A_74, %get3A_75] {strides = array<i32>} : memref<64x200xi32, #tpu.memory_space<vmem>>, vector<16xi32>,
    %swap3A_77 = arith.constant 0 : i32
    %swap3A_78 = arith.index_cast %swap3A_77 : i32 to index
    %swap3A_79 = arith.constant 16 : index
    %swap3A_80 = tpu.vector_load %arg8[%swap3A_78, %swap3A_79] {strides = array<i32>} : memref<3x72xi32, #tpu.memory_space<vmem>>, vector<16xi32>,
    tpu.vector_store %arg8[%swap3A_78, %swap3A_79], %get3A_76 {strides = array<i32>} : memref<3x72xi32, #tpu.memory_space<vmem>>, vector<16xi32>,
    %get3A_81 = arith.constant 0 : i32
    %get3A_82 = arith.index_cast %get3A_81 : i32 to index
    %get3A_83 = arith.constant 160 : index
    %get3A_84 = tpu.vector_load %arg6[%get3A_82, %get3A_83] {strides = array<i32>} : memref<64x200xi32, #tpu.memory_space<vmem>>, vector<16xi32>,
    %swap3A_85 = arith.constant 0 : i32
    %swap3A_86 = arith.index_cast %swap3A_85 : i32 to index
    %swap3A_87 = arith.constant 32 : index
    %swap3A_88 = tpu.vector_load %arg8[%swap3A_86, %swap3A_87] {strides = array<i32>} : memref<3x72xi32, #tpu.memory_space<vmem>>, vector<16xi32>,
    tpu.vector_store %arg8[%swap3A_86, %swap3A_87], %get3A_84 {strides = array<i32>} : memref<3x72xi32, #tpu.memory_space<vmem>>, vector<16xi32>,
    %get3A_89 = arith.constant 0 : i32
    %get3A_90 = arith.index_cast %get3A_89 : i32 to index
    %get3A_91 = arith.constant 176 : index
    %get3A_92 = tpu.vector_load %arg6[%get3A_90, %get3A_91] {strides = array<i32>} : memref<64x200xi32, #tpu.memory_space<vmem>>, vector<16xi32>,
    %swap3A_93 = arith.constant 0 : i32
    %swap3A_94 = arith.index_cast %swap3A_93 : i32 to index
    %swap3A_95 = arith.constant 48 : index
    %swap3A_96 = tpu.vector_load %arg8[%swap3A_94, %swap3A_95] {strides = array<i32>} : memref<3x72xi32, #tpu.memory_space<vmem>>, vector<16xi32>,
    tpu.vector_store %arg8[%swap3A_94, %swap3A_95], %get3A_92 {strides = array<i32>} : memref<3x72xi32, #tpu.memory_space<vmem>>, vector<16xi32>,
    %get3A_97 = arith.constant 0 : i32
    %get3A_98 = arith.index_cast %get3A_97 : i32 to index
    %get3A_99 = arith.constant 184 : index
    %get3A_100 = tpu.vector_load %arg6[%get3A_98, %get3A_99] {strides = array<i32>} : memref<64x200xi32, #tpu.memory_space<vmem>>, vector<16xi32>,
    %swap3A_101 = arith.constant 0 : i32
    %swap3A_102 = arith.index_cast %swap3A_101 : i32 to index
    %swap3A_103 = arith.constant 56 : index
    %swap3A_104 = tpu.vector_load %arg8[%swap3A_102, %swap3A_103] {strides = array<i32>} : memref<3x72xi32, #tpu.memory_space<vmem>>, vector<16xi32>,
    tpu.vector_store %arg8[%swap3A_102, %swap3A_103], %get3A_100 {strides = array<i32>} : memref<3x72xi32, #tpu.memory_space<vmem>>, vector<16xi32>,
    %dma_start3A = arith.constant 0 : i32
    %dma_start3A_105 = arith.constant 0 : i32
    %dma_start3A_106 = arith.constant 0 : i32
    %dma_start3A_107 = arith.constant 0 : i32
    %dma_start3A_108 = tpu.memref_slice %arg9[%dma_start3A_106, %dma_start3A_107] : memref<600x128xf32, #tpu.memory_space<vmem>> -> memref<128x128xf32, #tpu.memory_space<vmem>>
    %dma_start3A_109 = arith.constant 0 : i32
    %dma_start3A_110 = tpu.memref_slice %arg7[%dma_start3A, %dma_start3A_109] : memref<3x128xi32, #tpu.memory_space<vmem>> -> memref<1x128xi32, #tpu.memory_space<vmem>>
    %dma_start3A_111 = tpu.memref_squeeze %dma_start3A_110 : memref<1x128xi32, #tpu.memory_space<vmem>> -> memref<128xi32, #tpu.memory_space<vmem>>
    %dma_start3A_112 = arith.constant 0 : i32
    %dma_start3A_113 = arith.constant 0 : i32
    %dma_start3A_114 = tpu.memref_slice %arg3[%dma_start3A_112, %dma_start3A_113] : memref<100000x128xf32, #tpu.memory_space<hbm>> -> memref<100000x128xf32, #tpu.memory_space<hbm>>
    %dma_start3A_115 = tpu.memref_slice %arg11[%dma_start3A_105] : memref<3x!tpu.dma_semaphore, #tpu.memory_space<semaphore_mem>> -> memref<1x!tpu.dma_semaphore, #tpu.memory_space<semaphore_mem>>
    %dma_start3A_116 = tpu.memref_squeeze %dma_start3A_115 : memref<1x!tpu.dma_semaphore, #tpu.memory_space<semaphore_mem>> -> memref<!tpu.dma_semaphore, #tpu.memory_space<semaphore_mem>>
    tpu.enqueue_indirect_dma source(%dma_start3A_114 : memref<100000x128xf32, #tpu.memory_space<hbm>>) target(%dma_start3A_108 : memref<128x128xf32, #tpu.memory_space<vmem>>) offsets(%dma_start3A_111 : memref<128xi32, #tpu.memory_space<vmem>>) semaphore(%dma_start3A_116 : memref<!tpu.dma_semaphore, #tpu.memory_space<semaphore_mem>>)
    %dma_start3A_117 = arith.constant 0 : i32
    %dma_start3A_118 = arith.constant 0 : i32
    %dma_start3A_119 = arith.constant 128 : i32
    %dma_start3A_120 = arith.constant 0 : i32
    %dma_start3A_121 = tpu.memref_slice %arg9[%dma_start3A_119, %dma_start3A_120] : memref<600x128xf32, #tpu.memory_space<vmem>> -> memref<72x128xf32, #tpu.memory_space<vmem>>
    %dma_start3A_122 = arith.constant 0 : i32
    %dma_start3A_123 = tpu.memref_slice %arg8[%dma_start3A_117, %dma_start3A_122] : memref<3x72xi32, #tpu.memory_space<vmem>> -> memref<1x72xi32, #tpu.memory_space<vmem>>
    %dma_start3A_124 = tpu.memref_squeeze %dma_start3A_123 : memref<1x72xi32, #tpu.memory_space<vmem>> -> memref<72xi32, #tpu.memory_space<vmem>>
    %dma_start3A_125 = arith.constant 0 : i32
    %dma_start3A_126 = arith.constant 0 : i32
    %dma_start3A_127 = tpu.memref_slice %arg3[%dma_start3A_125, %dma_start3A_126] : memref<100000x128xf32, #tpu.memory_space<hbm>> -> memref<100000x128xf32, #tpu.memory_space<hbm>>
    %dma_start3A_128 = tpu.memref_slice %arg11[%dma_start3A_118] : memref<3x!tpu.dma_semaphore, #tpu.memory_space<semaphore_mem>> -> memref<1x!tpu.dma_semaphore, #tpu.memory_space<semaphore_mem>>
    %dma_start3A_129 = tpu.memref_squeeze %dma_start3A_128 : memref<1x!tpu.dma_semaphore, #tpu.memory_space<semaphore_mem>> -> memref<!tpu.dma_semaphore, #tpu.memory_space<semaphore_mem>>
    tpu.enqueue_indirect_dma source(%dma_start3A_127 : memref<100000x128xf32, #tpu.memory_space<hbm>>) target(%dma_start3A_121 : memref<72x128xf32, #tpu.memory_space<vmem>>) offsets(%dma_start3A_124 : memref<72xi32, #tpu.memory_space<vmem>>) semaphore(%dma_start3A_129 : memref<!tpu.dma_semaphore, #tpu.memory_space<semaphore_mem>>)
    %get3A_130 = arith.constant 1 : i32
    %get3A_131 = arith.index_cast %get3A_130 : i32 to index
    %get3A_132 = arith.constant 0 : index
    %get3A_133 = tpu.vector_load %arg6[%get3A_131, %get3A_132] {strides = array<i32>} : memref<64x200xi32, #tpu.memory_space<vmem>>, vector<16xi32>,
    %swap3A_134 = arith.constant 1 : i32
    %swap3A_135 = arith.index_cast %swap3A_134 : i32 to index
    %swap3A_136 = arith.constant 0 : index
    %swap3A_137 = tpu.vector_load %arg7[%swap3A_135, %swap3A_136] {strides = array<i32>} : memref<3x128xi32, #tpu.memory_space<vmem>>, vector<16xi32>,
    tpu.vector_store %arg7[%swap3A_135, %swap3A_136], %get3A_133 {strides = array<i32>} : memref<3x128xi32, #tpu.memory_space<vmem>>, vector<16xi32>,
    %get3A_138 = arith.constant 1 : i32
    %get3A_139 = arith.index_cast %get3A_138 : i32 to index
    %get3A_140 = arith.constant 16 : index
    %get3A_141 = tpu.vector_load %arg6[%get3A_139, %get3A_140] {strides = array<i32>} : memref<64x200xi32, #tpu.memory_space<vmem>>, vector<16xi32>,
    %swap3A_142 = arith.constant 1 : i32
    %swap3A_143 = arith.index_cast %swap3A_142 : i32 to index
    %swap3A_144 = arith.constant 16 : index
    %swap3A_145 = tpu.vector_load %arg7[%swap3A_143, %swap3A_144] {strides = array<i32>} : memref<3x128xi32, #tpu.memory_space<vmem>>, vector<16xi32>,
    tpu.vector_store %arg7[%swap3A_143, %swap3A_144], %get3A_141 {strides = array<i32>} : memref<3x128xi32, #tpu.memory_space<vmem>>, vector<16xi32>,
    %get3A_146 = arith.constant 1 : i32
    %get3A_147 = arith.index_cast %get3A_146 : i32 to index
    %get3A_148 = arith.constant 32 : index
    %get3A_149 = tpu.vector_load %arg6[%get3A_147, %get3A_148] {strides = array<i32>} : memref<64x200xi32, #tpu.memory_space<vmem>>, vector<16xi32>,
    %swap3A_150 = arith.constant 1 : i32
    %swap3A_151 = arith.index_cast %swap3A_150 : i32 to index
    %swap3A_152 = arith.constant 32 : index
    %swap3A_153 = tpu.vector_load %arg7[%swap3A_151, %swap3A_152] {strides = array<i32>} : memref<3x128xi32, #tpu.memory_space<vmem>>, vector<16xi32>,
    tpu.vector_store %arg7[%swap3A_151, %swap3A_152], %get3A_149 {strides = array<i32>} : memref<3x128xi32, #tpu.memory_space<vmem>>, vector<16xi32>,
    %get3A_154 = arith.constant 1 : i32
    %get3A_155 = arith.index_cast %get3A_154 : i32 to index
    %get3A_156 = arith.constant 48 : index
    %get3A_157 = tpu.vector_load %arg6[%get3A_155, %get3A_156] {strides = array<i32>} : memref<64x200xi32, #tpu.memory_space<vmem>>, vector<16xi32>,
    %swap3A_158 = arith.constant 1 : i32
    %swap3A_159 = arith.index_cast %swap3A_158 : i32 to index
    %swap3A_160 = arith.constant 48 : index
    %swap3A_161 = tpu.vector_load %arg7[%swap3A_159, %swap3A_160] {strides = array<i32>} : memref<3x128xi32, #tpu.memory_space<vmem>>, vector<16xi32>,
    tpu.vector_store %arg7[%swap3A_159, %swap3A_160], %get3A_157 {strides = array<i32>} : memref<3x128xi32, #tpu.memory_space<vmem>>, vector<16xi32>,
    %get3A_162 = arith.constant 1 : i32
    %get3A_163 = arith.index_cast %get3A_162 : i32 to index
    %get3A_164 = arith.constant 64 : index
    %get3A_165 = tpu.vector_load %arg6[%get3A_163, %get3A_164] {strides = array<i32>} : memref<64x200xi32, #tpu.memory_space<vmem>>, vector<16xi32>,
    %swap3A_166 = arith.constant 1 : i32
    %swap3A_167 = arith.index_cast %swap3A_166 : i32 to index
    %swap3A_168 = arith.constant 64 : index
    %swap3A_169 = tpu.vector_load %arg7[%swap3A_167, %swap3A_168] {strides = array<i32>} : memref<3x128xi32, #tpu.memory_space<vmem>>, vector<16xi32>,
    tpu.vector_store %arg7[%swap3A_167, %swap3A_168], %get3A_165 {strides = array<i32>} : memref<3x128xi32, #tpu.memory_space<vmem>>, vector<16xi32>,
    %get3A_170 = arith.constant 1 : i32
    %get3A_171 = arith.index_cast %get3A_170 : i32 to index
    %get3A_172 = arith.constant 80 : index
    %get3A_173 = tpu.vector_load %arg6[%get3A_171, %get3A_172] {strides = array<i32>} : memref<64x200xi32, #tpu.memory_space<vmem>>, vector<16xi32>,
    %swap3A_174 = arith.constant 1 : i32
    %swap3A_175 = arith.index_cast %swap3A_174 : i32 to index
    %swap3A_176 = arith.constant 80 : index
    %swap3A_177 = tpu.vector_load %arg7[%swap3A_175, %swap3A_176] {strides = array<i32>} : memref<3x128xi32, #tpu.memory_space<vmem>>, vector<16xi32>,
    tpu.vector_store %arg7[%swap3A_175, %swap3A_176], %get3A_173 {strides = array<i32>} : memref<3x128xi32, #tpu.memory_space<vmem>>, vector<16xi32>,
    %get3A_178 = arith.constant 1 : i32
    %get3A_179 = arith.index_cast %get3A_178 : i32 to index
    %get3A_180 = arith.constant 96 : index
    %get3A_181 = tpu.vector_load %arg6[%get3A_179, %get3A_180] {strides = array<i32>} : memref<64x200xi32, #tpu.memory_space<vmem>>, vector<16xi32>,
    %swap3A_182 = arith.constant 1 : i32
    %swap3A_183 = arith.index_cast %swap3A_182 : i32 to index
    %swap3A_184 = arith.constant 96 : index
    %swap3A_185 = tpu.vector_load %arg7[%swap3A_183, %swap3A_184] {strides = array<i32>} : memref<3x128xi32, #tpu.memory_space<vmem>>, vector<16xi32>,
    tpu.vector_store %arg7[%swap3A_183, %swap3A_184], %get3A_181 {strides = array<i32>} : memref<3x128xi32, #tpu.memory_space<vmem>>, vector<16xi32>,
    %get3A_186 = arith.constant 1 : i32
    %get3A_187 = arith.index_cast %get3A_186 : i32 to index
    %get3A_188 = arith.constant 112 : index
    %get3A_189 = tpu.vector_load %arg6[%get3A_187, %get3A_188] {strides = array<i32>} : memref<64x200xi32, #tpu.memory_space<vmem>>, vector<16xi32>,
    %swap3A_190 = arith.constant 1 : i32
    %swap3A_191 = arith.index_cast %swap3A_190 : i32 to index
    %swap3A_192 = arith.constant 112 : index
    %swap3A_193 = tpu.vector_load %arg7[%swap3A_191, %swap3A_192] {strides = array<i32>} : memref<3x128xi32, #tpu.memory_space<vmem>>, vector<16xi32>,
    tpu.vector_store %arg7[%swap3A_191, %swap3A_192], %get3A_189 {strides = array<i32>} : memref<3x128xi32, #tpu.memory_space<vmem>>, vector<16xi32>,
    %get3A_194 = arith.constant 1 : i32
    %get3A_195 = arith.index_cast %get3A_194 : i32 to index
    %get3A_196 = arith.constant 128 : index
    %get3A_197 = tpu.vector_load %arg6[%get3A_195, %get3A_196] {strides = array<i32>} : memref<64x200xi32, #tpu.memory_space<vmem>>, vector<16xi32>,
    %swap3A_198 = arith.constant 1 : i32
    %swap3A_199 = arith.index_cast %swap3A_198 : i32 to index
    %swap3A_200 = arith.constant 0 : index
    %swap3A_201 = tpu.vector_load %arg8[%swap3A_199, %swap3A_200] {strides = array<i32>} : memref<3x72xi32, #tpu.memory_space<vmem>>, vector<16xi32>,
    tpu.vector_store %arg8[%swap3A_199, %swap3A_200], %get3A_197 {strides = array<i32>} : memref<3x72xi32, #tpu.memory_space<vmem>>, vector<16xi32>,
    %get3A_202 = arith.constant 1 : i32
    %get3A_203 = arith.index_cast %get3A_202 : i32 to index
    %get3A_204 = arith.constant 144 : index
    %get3A_205 = tpu.vector_load %arg6[%get3A_203, %get3A_204] {strides = array<i32>} : memref<64x200xi32, #tpu.memory_space<vmem>>, vector<16xi32>,
    %swap3A_206 = arith.constant 1 : i32
    %swap3A_207 = arith.index_cast %swap3A_206 : i32 to index
    %swap3A_208 = arith.constant 16 : index
    %swap3A_209 = tpu.vector_load %arg8[%swap3A_207, %swap3A_208] {strides = array<i32>} : memref<3x72xi32, #tpu.memory_space<vmem>>, vector<16xi32>,
    tpu.vector_store %arg8[%swap3A_207, %swap3A_208], %get3A_205 {strides = array<i32>} : memref<3x72xi32, #tpu.memory_space<vmem>>, vector<16xi32>,
    %get3A_210 = arith.constant 1 : i32
    %get3A_211 = arith.index_cast %get3A_210 : i32 to index
    %get3A_212 = arith.constant 160 : index
    %get3A_213 = tpu.vector_load %arg6[%get3A_211, %get3A_212] {strides = array<i32>} : memref<64x200xi32, #tpu.memory_space<vmem>>, vector<16xi32>,
    %swap3A_214 = arith.constant 1 : i32
    %swap3A_215 = arith.index_cast %swap3A_214 : i32 to index
    %swap3A_216 = arith.constant 32 : index
    %swap3A_217 = tpu.vector_load %arg8[%swap3A_215, %swap3A_216] {strides = array<i32>} : memref<3x72xi32, #tpu.memory_space<vmem>>, vector<16xi32>,
    tpu.vector_store %arg8[%swap3A_215, %swap3A_216], %get3A_213 {strides = array<i32>} : memref<3x72xi32, #tpu.memory_space<vmem>>, vector<16xi32>,
    %get3A_218 = arith.constant 1 : i32
    %get3A_219 = arith.index_cast %get3A_218 : i32 to index
    %get3A_220 = arith.constant 176 : index
    %get3A_221 = tpu.vector_load %arg6[%get3A_219, %get3A_220] {strides = array<i32>} : memref<64x200xi32, #tpu.memory_space<vmem>>, vector<16xi32>,
    %swap3A_222 = arith.constant 1 : i32
    %swap3A_223 = arith.index_cast %swap3A_222 : i32 to index
    %swap3A_224 = arith.constant 48 : index
    %swap3A_225 = tpu.vector_load %arg8[%swap3A_223, %swap3A_224] {strides = array<i32>} : memref<3x72xi32, #tpu.memory_space<vmem>>, vector<16xi32>,
    tpu.vector_store %arg8[%swap3A_223, %swap3A_224], %get3A_221 {strides = array<i32>} : memref<3x72xi32, #tpu.memory_space<vmem>>, vector<16xi32>,
    %get3A_226 = arith.constant 1 : i32
    %get3A_227 = arith.index_cast %get3A_226 : i32 to index
    %get3A_228 = arith.constant 184 : index
    %get3A_229 = tpu.vector_load %arg6[%get3A_227, %get3A_228] {strides = array<i32>} : memref<64x200xi32, #tpu.memory_space<vmem>>, vector<16xi32>,
    %swap3A_230 = arith.constant 1 : i32
    %swap3A_231 = arith.index_cast %swap3A_230 : i32 to index
    %swap3A_232 = arith.constant 56 : index
    %swap3A_233 = tpu.vector_load %arg8[%swap3A_231, %swap3A_232] {strides = array<i32>} : memref<3x72xi32, #tpu.memory_space<vmem>>, vector<16xi32>,
    tpu.vector_store %arg8[%swap3A_231, %swap3A_232], %get3A_229 {strides = array<i32>} : memref<3x72xi32, #tpu.memory_space<vmem>>, vector<16xi32>,
    %dma_start3A_234 = arith.constant 1 : i32
    %dma_start3A_235 = arith.constant 1 : i32
    %dma_start3A_236 = arith.constant 200 : i32
    %dma_start3A_237 = arith.constant 0 : i32
    %dma_start3A_238 = tpu.memref_slice %arg9[%dma_start3A_236, %dma_start3A_237] : memref<600x128xf32, #tpu.memory_space<vmem>> -> memref<128x128xf32, #tpu.memory_space<vmem>>
    %dma_start3A_239 = arith.constant 0 : i32
    %dma_start3A_240 = tpu.memref_slice %arg7[%dma_start3A_234, %dma_start3A_239] : memref<3x128xi32, #tpu.memory_space<vmem>> -> memref<1x128xi32, #tpu.memory_space<vmem>>
    %dma_start3A_241 = tpu.memref_squeeze %dma_start3A_240 : memref<1x128xi32, #tpu.memory_space<vmem>> -> memref<128xi32, #tpu.memory_space<vmem>>
    %dma_start3A_242 = arith.constant 0 : i32
    %dma_start3A_243 = arith.constant 0 : i32
    %dma_start3A_244 = tpu.memref_slice %arg3[%dma_start3A_242, %dma_start3A_243] : memref<100000x128xf32, #tpu.memory_space<hbm>> -> memref<100000x128xf32, #tpu.memory_space<hbm>>
    %dma_start3A_245 = tpu.memref_slice %arg11[%dma_start3A_235] : memref<3x!tpu.dma_semaphore, #tpu.memory_space<semaphore_mem>> -> memref<1x!tpu.dma_semaphore, #tpu.memory_space<semaphore_mem>>
    %dma_start3A_246 = tpu.memref_squeeze %dma_start3A_245 : memref<1x!tpu.dma_semaphore, #tpu.memory_space<semaphore_mem>> -> memref<!tpu.dma_semaphore, #tpu.memory_space<semaphore_mem>>
    tpu.enqueue_indirect_dma source(%dma_start3A_244 : memref<100000x128xf32, #tpu.memory_space<hbm>>) target(%dma_start3A_238 : memref<128x128xf32, #tpu.memory_space<vmem>>) offsets(%dma_start3A_241 : memref<128xi32, #tpu.memory_space<vmem>>) semaphore(%dma_start3A_246 : memref<!tpu.dma_semaphore, #tpu.memory_space<semaphore_mem>>)
    %dma_start3A_247 = arith.constant 1 : i32
    %dma_start3A_248 = arith.constant 1 : i32
    %dma_start3A_249 = arith.constant 328 : i32
    %dma_start3A_250 = arith.constant 0 : i32
    %dma_start3A_251 = tpu.memref_slice %arg9[%dma_start3A_249, %dma_start3A_250] : memref<600x128xf32, #tpu.memory_space<vmem>> -> memref<72x128xf32, #tpu.memory_space<vmem>>
    %dma_start3A_252 = arith.constant 0 : i32
    %dma_start3A_253 = tpu.memref_slice %arg8[%dma_start3A_247, %dma_start3A_252] : memref<3x72xi32, #tpu.memory_space<vmem>> -> memref<1x72xi32, #tpu.memory_space<vmem>>
    %dma_start3A_254 = tpu.memref_squeeze %dma_start3A_253 : memref<1x72xi32, #tpu.memory_space<vmem>> -> memref<72xi32, #tpu.memory_space<vmem>>
    %dma_start3A_255 = arith.constant 0 : i32
    %dma_start3A_256 = arith.constant 0 : i32
    %dma_start3A_257 = tpu.memref_slice %arg3[%dma_start3A_255, %dma_start3A_256] : memref<100000x128xf32, #tpu.memory_space<hbm>> -> memref<100000x128xf32, #tpu.memory_space<hbm>>
    %dma_start3A_258 = tpu.memref_slice %arg11[%dma_start3A_248] : memref<3x!tpu.dma_semaphore, #tpu.memory_space<semaphore_mem>> -> memref<1x!tpu.dma_semaphore, #tpu.memory_space<semaphore_mem>>
    %dma_start3A_259 = tpu.memref_squeeze %dma_start3A_258 : memref<1x!tpu.dma_semaphore, #tpu.memory_space<semaphore_mem>> -> memref<!tpu.dma_semaphore, #tpu.memory_space<semaphore_mem>>
    tpu.enqueue_indirect_dma source(%dma_start3A_257 : memref<100000x128xf32, #tpu.memory_space<hbm>>) target(%dma_start3A_251 : memref<72x128xf32, #tpu.memory_space<vmem>>) offsets(%dma_start3A_254 : memref<72xi32, #tpu.memory_space<vmem>>) semaphore(%dma_start3A_259 : memref<!tpu.dma_semaphore, #tpu.memory_space<semaphore_mem>>)
    %dma_wait3A = arith.constant 0 : i32
    %dma_wait3A_260 = arith.constant 0 : i32
    %dma_wait3A_261 = arith.constant 0 : i32
    %dma_wait3A_262 = arith.constant 0 : i32
    %dma_wait3A_263 = tpu.memref_slice %arg9[%dma_wait3A_261, %dma_wait3A_262] : memref<600x128xf32, #tpu.memory_space<vmem>> -> memref<128x128xf32, #tpu.memory_space<vmem>>
    %dma_wait3A_264 = arith.constant 0 : i32
    %dma_wait3A_265 = tpu.memref_slice %arg7[%dma_wait3A, %dma_wait3A_264] : memref<3x128xi32, #tpu.memory_space<vmem>> -> memref<1x128xi32, #tpu.memory_space<vmem>>
    %dma_wait3A_266 = tpu.memref_squeeze %dma_wait3A_265 : memref<1x128xi32, #tpu.memory_space<vmem>> -> memref<128xi32, #tpu.memory_space<vmem>>
    %dma_wait3A_267 = arith.constant 0 : i32
    %dma_wait3A_268 = arith.constant 0 : i32
    %dma_wait3A_269 = tpu.memref_slice %arg3[%dma_wait3A_267, %dma_wait3A_268] : memref<100000x128xf32, #tpu.memory_space<hbm>> -> memref<100000x128xf32, #tpu.memory_space<hbm>>
    %dma_wait3A_270 = tpu.memref_slice %arg11[%dma_wait3A_260] : memref<3x!tpu.dma_semaphore, #tpu.memory_space<semaphore_mem>> -> memref<1x!tpu.dma_semaphore, #tpu.memory_space<semaphore_mem>>
    %dma_wait3A_271 = tpu.memref_squeeze %dma_wait3A_270 : memref<1x!tpu.dma_semaphore, #tpu.memory_space<semaphore_mem>> -> memref<!tpu.dma_semaphore, #tpu.memory_space<semaphore_mem>>
    tpu.wait_indirect_dma semaphore(%dma_wait3A_271 : memref<!tpu.dma_semaphore, #tpu.memory_space<semaphore_mem>>) src(%dma_wait3A_269 : memref<100000x128xf32, #tpu.memory_space<hbm>>) dst(%dma_wait3A_263 : memref<128x128xf32, #tpu.memory_space<vmem>>)
    %dma_wait3A_272 = arith.constant 0 : i32
    %dma_wait3A_273 = arith.constant 0 : i32
    %dma_wait3A_274 = arith.constant 128 : i32
    %dma_wait3A_275 = arith.constant 0 : i32
    %dma_wait3A_276 = tpu.memref_slice %arg9[%dma_wait3A_274, %dma_wait3A_275] : memref<600x128xf32, #tpu.memory_space<vmem>> -> memref<72x128xf32, #tpu.memory_space<vmem>>
    %dma_wait3A_277 = arith.constant 0 : i32
    %dma_wait3A_278 = tpu.memref_slice %arg8[%dma_wait3A_272, %dma_wait3A_277] : memref<3x72xi32, #tpu.memory_space<vmem>> -> memref<1x72xi32, #tpu.memory_space<vmem>>
    %dma_wait3A_279 = tpu.memref_squeeze %dma_wait3A_278 : memref<1x72xi32, #tpu.memory_space<vmem>> -> memref<72xi32, #tpu.memory_space<vmem>>
    %dma_wait3A_280 = arith.constant 0 : i32
    %dma_wait3A_281 = arith.constant 0 : i32
    %dma_wait3A_282 = tpu.memref_slice %arg3[%dma_wait3A_280, %dma_wait3A_281] : memref<100000x128xf32, #tpu.memory_space<hbm>> -> memref<100000x128xf32, #tpu.memory_space<hbm>>
    %dma_wait3A_283 = tpu.memref_slice %arg11[%dma_wait3A_273] : memref<3x!tpu.dma_semaphore, #tpu.memory_space<semaphore_mem>> -> memref<1x!tpu.dma_semaphore, #tpu.memory_space<semaphore_mem>>
    %dma_wait3A_284 = tpu.memref_squeeze %dma_wait3A_283 : memref<1x!tpu.dma_semaphore, #tpu.memory_space<semaphore_mem>> -> memref<!tpu.dma_semaphore, #tpu.memory_space<semaphore_mem>>
    tpu.wait_indirect_dma semaphore(%dma_wait3A_284 : memref<!tpu.dma_semaphore, #tpu.memory_space<semaphore_mem>>) src(%dma_wait3A_282 : memref<100000x128xf32, #tpu.memory_space<hbm>>) dst(%dma_wait3A_276 : memref<72x128xf32, #tpu.memory_space<vmem>>)
    %parallel_loop3A = arith.constant 0 : i32
    %parallel_loop3A_285 = arith.constant 200 : i32
    %parallel_loop3A_286 = arith.constant 1 : i32
    scf.for %parallel_loop3A_707 = %parallel_loop3A to %parallel_loop3A_285 step %parallel_loop3A_286  : i32 {
      %parallel_loop3A_708 = arith.constant 0 : i32
      %parallel_loop3A_709 = arith.addi %parallel_loop3A_708, %parallel_loop3A_707 : i32
      %parallel_loop3A_710 = arith.index_cast %parallel_loop3A_709 : i32 to index
      %parallel_loop3A_711 = arith.constant 0 : index
      %parallel_loop3A_712 = tpu.vector_load %arg9[%parallel_loop3A_710, %parallel_loop3A_711] {strides = array<i32>} : memref<600x128xf32, #tpu.memory_space<vmem>>, vector<16xf32>,
      %parallel_loop3A_713 = arith.index_cast %parallel_loop3A_707 : i32 to index
      %parallel_loop3A_714 = arith.constant 0 : index
      %parallel_loop3A_715 = tpu.vector_load %arg10[%parallel_loop3A_713, %parallel_loop3A_714] {strides = array<i32>} : memref<200x64xf32, #tpu.memory_space<vmem>>, vector<16xf32>,
      %parallel_loop3A_716 = arith.addf %parallel_loop3A_712, %parallel_loop3A_715 : vector<16xf32>
      %parallel_loop3A_717 = arith.constant 0 : i32
      %parallel_loop3A_718 = arith.addi %parallel_loop3A_717, %parallel_loop3A_707 : i32
      %parallel_loop3A_719 = arith.index_cast %parallel_loop3A_718 : i32 to index
      %parallel_loop3A_720 = arith.constant 0 : index
      %parallel_loop3A_721 = tpu.vector_load %arg9[%parallel_loop3A_719, %parallel_loop3A_720] {strides = array<i32>} : memref<600x128xf32, #tpu.memory_space<vmem>>, vector<16xf32>,
      tpu.vector_store %arg9[%parallel_loop3A_719, %parallel_loop3A_720], %parallel_loop3A_716 {strides = array<i32>} : memref<600x128xf32, #tpu.memory_space<vmem>>, vector<16xf32>,
      %parallel_loop3A_722 = arith.constant 0 : i32
      %parallel_loop3A_723 = arith.addi %parallel_loop3A_722, %parallel_loop3A_707 : i32
      %parallel_loop3A_724 = arith.index_cast %parallel_loop3A_723 : i32 to index
      %parallel_loop3A_725 = arith.constant 16 : index
      %parallel_loop3A_726 = tpu.vector_load %arg9[%parallel_loop3A_724, %parallel_loop3A_725] {strides = array<i32>} : memref<600x128xf32, #tpu.memory_space<vmem>>, vector<16xf32>,
      %parallel_loop3A_727 = arith.index_cast %parallel_loop3A_707 : i32 to index
      %parallel_loop3A_728 = arith.constant 16 : index
      %parallel_loop3A_729 = tpu.vector_load %arg10[%parallel_loop3A_727, %parallel_loop3A_728] {strides = array<i32>} : memref<200x64xf32, #tpu.memory_space<vmem>>, vector<16xf32>,
      %parallel_loop3A_730 = arith.addf %parallel_loop3A_726, %parallel_loop3A_729 : vector<16xf32>
      %parallel_loop3A_731 = arith.constant 0 : i32
      %parallel_loop3A_732 = arith.addi %parallel_loop3A_731, %parallel_loop3A_707 : i32
      %parallel_loop3A_733 = arith.index_cast %parallel_loop3A_732 : i32 to index
      %parallel_loop3A_734 = arith.constant 16 : index
      %parallel_loop3A_735 = tpu.vector_load %arg9[%parallel_loop3A_733, %parallel_loop3A_734] {strides = array<i32>} : memref<600x128xf32, #tpu.memory_space<vmem>>, vector<16xf32>,
      tpu.vector_store %arg9[%parallel_loop3A_733, %parallel_loop3A_734], %parallel_loop3A_730 {strides = array<i32>} : memref<600x128xf32, #tpu.memory_space<vmem>>, vector<16xf32>,
      %parallel_loop3A_736 = arith.constant 0 : i32
      %parallel_loop3A_737 = arith.addi %parallel_loop3A_736, %parallel_loop3A_707 : i32
      %parallel_loop3A_738 = arith.index_cast %parallel_loop3A_737 : i32 to index
      %parallel_loop3A_739 = arith.constant 32 : index
      %parallel_loop3A_740 = tpu.vector_load %arg9[%parallel_loop3A_738, %parallel_loop3A_739] {strides = array<i32>} : memref<600x128xf32, #tpu.memory_space<vmem>>, vector<16xf32>,
      %parallel_loop3A_741 = arith.index_cast %parallel_loop3A_707 : i32 to index
      %parallel_loop3A_742 = arith.constant 32 : index
      %parallel_loop3A_743 = tpu.vector_load %arg10[%parallel_loop3A_741, %parallel_loop3A_742] {strides = array<i32>} : memref<200x64xf32, #tpu.memory_space<vmem>>, vector<16xf32>,
      %parallel_loop3A_744 = arith.addf %parallel_loop3A_740, %parallel_loop3A_743 : vector<16xf32>
      %parallel_loop3A_745 = arith.constant 0 : i32
      %parallel_loop3A_746 = arith.addi %parallel_loop3A_745, %parallel_loop3A_707 : i32
      %parallel_loop3A_747 = arith.index_cast %parallel_loop3A_746 : i32 to index
      %parallel_loop3A_748 = arith.constant 32 : index
      %parallel_loop3A_749 = tpu.vector_load %arg9[%parallel_loop3A_747, %parallel_loop3A_748] {strides = array<i32>} : memref<600x128xf32, #tpu.memory_space<vmem>>, vector<16xf32>,
      tpu.vector_store %arg9[%parallel_loop3A_747, %parallel_loop3A_748], %parallel_loop3A_744 {strides = array<i32>} : memref<600x128xf32, #tpu.memory_space<vmem>>, vector<16xf32>,
      %parallel_loop3A_750 = arith.constant 0 : i32
      %parallel_loop3A_751 = arith.addi %parallel_loop3A_750, %parallel_loop3A_707 : i32
      %parallel_loop3A_752 = arith.index_cast %parallel_loop3A_751 : i32 to index
      %parallel_loop3A_753 = arith.constant 48 : index
      %parallel_loop3A_754 = tpu.vector_load %arg9[%parallel_loop3A_752, %parallel_loop3A_753] {strides = array<i32>} : memref<600x128xf32, #tpu.memory_space<vmem>>, vector<16xf32>,
      %parallel_loop3A_755 = arith.index_cast %parallel_loop3A_707 : i32 to index
      %parallel_loop3A_756 = arith.constant 48 : index
      %parallel_loop3A_757 = tpu.vector_load %arg10[%parallel_loop3A_755, %parallel_loop3A_756] {strides = array<i32>} : memref<200x64xf32, #tpu.memory_space<vmem>>, vector<16xf32>,
      %parallel_loop3A_758 = arith.addf %parallel_loop3A_754, %parallel_loop3A_757 : vector<16xf32>
      %parallel_loop3A_759 = arith.constant 0 : i32
      %parallel_loop3A_760 = arith.addi %parallel_loop3A_759, %parallel_loop3A_707 : i32
      %parallel_loop3A_761 = arith.index_cast %parallel_loop3A_760 : i32 to index
      %parallel_loop3A_762 = arith.constant 48 : index
      %parallel_loop3A_763 = tpu.vector_load %arg9[%parallel_loop3A_761, %parallel_loop3A_762] {strides = array<i32>} : memref<600x128xf32, #tpu.memory_space<vmem>>, vector<16xf32>,
      tpu.vector_store %arg9[%parallel_loop3A_761, %parallel_loop3A_762], %parallel_loop3A_758 {strides = array<i32>} : memref<600x128xf32, #tpu.memory_space<vmem>>, vector<16xf32>,
    } {sc.loop_unroll_factor = 8 : i64, sc.parallel_access}
    %add3A_287 = arith.constant 0 : i32
    %add3A_288 = arith.addi %mul3A_2, %add3A_287 : i32
    %dma_start3A_289 = arith.constant 0 : i32
    %dma_start3A_290 = arith.constant 0 : i32
    %dma_start3A_291 = arith.constant 0 : i32
    %dma_start3A_292 = tpu.memref_slice %arg9[%dma_start3A_290, %dma_start3A_291] : memref<600x128xf32, #tpu.memory_space<vmem>> -> memref<200x128xf32, #tpu.memory_space<vmem>>
    %dma_start3A_293 = arith.constant 0 : i32
    %dma_start3A_294 = arith.constant 0 : i32
    %dma_start3A_295 = tpu.memref_slice %arg5[%add3A_288, %dma_start3A_293, %dma_start3A_294] : memref<4096x200x128xf32, #tpu.memory_space<hbm>> -> memref<1x200x128xf32, #tpu.memory_space<hbm>>
    %dma_start3A_296 = tpu.memref_squeeze %dma_start3A_295 : memref<1x200x128xf32, #tpu.memory_space<hbm>> -> memref<200x128xf32, #tpu.memory_space<hbm>>
    %dma_start3A_297 = tpu.memref_slice %arg12[%dma_start3A_289] : memref<3x!tpu.dma_semaphore, #tpu.memory_space<semaphore_mem>> -> memref<1x!tpu.dma_semaphore, #tpu.memory_space<semaphore_mem>>
    %dma_start3A_298 = tpu.memref_squeeze %dma_start3A_297 : memref<1x!tpu.dma_semaphore, #tpu.memory_space<semaphore_mem>> -> memref<!tpu.dma_semaphore, #tpu.memory_space<semaphore_mem>>
    %dma_start3A_299 = arith.constant 0 : i32
    %dma_start3A_300 = arith.constant 0 : i32
    %dma_start3A_301 = tpu.memref_slice %arg5[%add3A_288, %dma_start3A_299, %dma_start3A_300] : memref<4096x200x128xf32, #tpu.memory_space<hbm>> -> memref<1x200x128xf32, #tpu.memory_space<hbm>>
    %dma_start3A_302 = tpu.memref_squeeze %dma_start3A_301 : memref<1x200x128xf32, #tpu.memory_space<hbm>> -> memref<200x128xf32, #tpu.memory_space<hbm>>
    %dma_start3A_303 = arith.constant 0 : i32
    %dma_start3A_304 = arith.constant 0 : i32
    %dma_start3A_305 = tpu.memref_slice %arg9[%dma_start3A_303, %dma_start3A_304] : memref<600x128xf32, #tpu.memory_space<vmem>> -> memref<200x128xf32, #tpu.memory_space<vmem>>
    tpu.enqueue_dma source(%dma_start3A_305 : memref<200x128xf32, #tpu.memory_space<vmem>>) target(%dma_start3A_302 : memref<200x128xf32, #tpu.memory_space<hbm>>) target_semaphore(%dma_start3A_298 : memref<!tpu.dma_semaphore, #tpu.memory_space<semaphore_mem>>)
    %get3A_306 = arith.constant 2 : i32
    %get3A_307 = arith.index_cast %get3A_306 : i32 to index
    %get3A_308 = arith.constant 0 : index
    %get3A_309 = tpu.vector_load %arg6[%get3A_307, %get3A_308] {strides = array<i32>} : memref<64x200xi32, #tpu.memory_space<vmem>>, vector<16xi32>,
    %swap3A_310 = arith.constant 2 : i32
    %swap3A_311 = arith.index_cast %swap3A_310 : i32 to index
    %swap3A_312 = arith.constant 0 : index
    %swap3A_313 = tpu.vector_load %arg7[%swap3A_311, %swap3A_312] {strides = array<i32>} : memref<3x128xi32, #tpu.memory_space<vmem>>, vector<16xi32>,
    tpu.vector_store %arg7[%swap3A_311, %swap3A_312], %get3A_309 {strides = array<i32>} : memref<3x128xi32, #tpu.memory_space<vmem>>, vector<16xi32>,
    %get3A_314 = arith.constant 2 : i32
    %get3A_315 = arith.index_cast %get3A_314 : i32 to index
    %get3A_316 = arith.constant 16 : index
    %get3A_317 = tpu.vector_load %arg6[%get3A_315, %get3A_316] {strides = array<i32>} : memref<64x200xi32, #tpu.memory_space<vmem>>, vector<16xi32>,
    %swap3A_318 = arith.constant 2 : i32
    %swap3A_319 = arith.index_cast %swap3A_318 : i32 to index
    %swap3A_320 = arith.constant 16 : index
    %swap3A_321 = tpu.vector_load %arg7[%swap3A_319, %swap3A_320] {strides = array<i32>} : memref<3x128xi32, #tpu.memory_space<vmem>>, vector<16xi32>,
    tpu.vector_store %arg7[%swap3A_319, %swap3A_320], %get3A_317 {strides = array<i32>} : memref<3x128xi32, #tpu.memory_space<vmem>>, vector<16xi32>,
    %get3A_322 = arith.constant 2 : i32
    %get3A_323 = arith.index_cast %get3A_322 : i32 to index
    %get3A_324 = arith.constant 32 : index
    %get3A_325 = tpu.vector_load %arg6[%get3A_323, %get3A_324] {strides = array<i32>} : memref<64x200xi32, #tpu.memory_space<vmem>>, vector<16xi32>,
    %swap3A_326 = arith.constant 2 : i32
    %swap3A_327 = arith.index_cast %swap3A_326 : i32 to index
    %swap3A_328 = arith.constant 32 : index
    %swap3A_329 = tpu.vector_load %arg7[%swap3A_327, %swap3A_328] {strides = array<i32>} : memref<3x128xi32, #tpu.memory_space<vmem>>, vector<16xi32>,
    tpu.vector_store %arg7[%swap3A_327, %swap3A_328], %get3A_325 {strides = array<i32>} : memref<3x128xi32, #tpu.memory_space<vmem>>, vector<16xi32>,
    %get3A_330 = arith.constant 2 : i32
    %get3A_331 = arith.index_cast %get3A_330 : i32 to index
    %get3A_332 = arith.constant 48 : index
    %get3A_333 = tpu.vector_load %arg6[%get3A_331, %get3A_332] {strides = array<i32>} : memref<64x200xi32, #tpu.memory_space<vmem>>, vector<16xi32>,
    %swap3A_334 = arith.constant 2 : i32
    %swap3A_335 = arith.index_cast %swap3A_334 : i32 to index
    %swap3A_336 = arith.constant 48 : index
    %swap3A_337 = tpu.vector_load %arg7[%swap3A_335, %swap3A_336] {strides = array<i32>} : memref<3x128xi32, #tpu.memory_space<vmem>>, vector<16xi32>,
    tpu.vector_store %arg7[%swap3A_335, %swap3A_336], %get3A_333 {strides = array<i32>} : memref<3x128xi32, #tpu.memory_space<vmem>>, vector<16xi32>,
    %get3A_338 = arith.constant 2 : i32
    %get3A_339 = arith.index_cast %get3A_338 : i32 to index
    %get3A_340 = arith.constant 64 : index
    %get3A_341 = tpu.vector_load %arg6[%get3A_339, %get3A_340] {strides = array<i32>} : memref<64x200xi32, #tpu.memory_space<vmem>>, vector<16xi32>,
    %swap3A_342 = arith.constant 2 : i32
    %swap3A_343 = arith.index_cast %swap3A_342 : i32 to index
    %swap3A_344 = arith.constant 64 : index
    %swap3A_345 = tpu.vector_load %arg7[%swap3A_343, %swap3A_344] {strides = array<i32>} : memref<3x128xi32, #tpu.memory_space<vmem>>, vector<16xi32>,
    tpu.vector_store %arg7[%swap3A_343, %swap3A_344], %get3A_341 {strides = array<i32>} : memref<3x128xi32, #tpu.memory_space<vmem>>, vector<16xi32>,
    %get3A_346 = arith.constant 2 : i32
    %get3A_347 = arith.index_cast %get3A_346 : i32 to index
    %get3A_348 = arith.constant 80 : index
    %get3A_349 = tpu.vector_load %arg6[%get3A_347, %get3A_348] {strides = array<i32>} : memref<64x200xi32, #tpu.memory_space<vmem>>, vector<16xi32>,
    %swap3A_350 = arith.constant 2 : i32
    %swap3A_351 = arith.index_cast %swap3A_350 : i32 to index
    %swap3A_352 = arith.constant 80 : index
    %swap3A_353 = tpu.vector_load %arg7[%swap3A_351, %swap3A_352] {strides = array<i32>} : memref<3x128xi32, #tpu.memory_space<vmem>>, vector<16xi32>,
    tpu.vector_store %arg7[%swap3A_351, %swap3A_352], %get3A_349 {strides = array<i32>} : memref<3x128xi32, #tpu.memory_space<vmem>>, vector<16xi32>,
    %get3A_354 = arith.constant 2 : i32
    %get3A_355 = arith.index_cast %get3A_354 : i32 to index
    %get3A_356 = arith.constant 96 : index
    %get3A_357 = tpu.vector_load %arg6[%get3A_355, %get3A_356] {strides = array<i32>} : memref<64x200xi32, #tpu.memory_space<vmem>>, vector<16xi32>,
    %swap3A_358 = arith.constant 2 : i32
    %swap3A_359 = arith.index_cast %swap3A_358 : i32 to index
    %swap3A_360 = arith.constant 96 : index
    %swap3A_361 = tpu.vector_load %arg7[%swap3A_359, %swap3A_360] {strides = array<i32>} : memref<3x128xi32, #tpu.memory_space<vmem>>, vector<16xi32>,
    tpu.vector_store %arg7[%swap3A_359, %swap3A_360], %get3A_357 {strides = array<i32>} : memref<3x128xi32, #tpu.memory_space<vmem>>, vector<16xi32>,
    %get3A_362 = arith.constant 2 : i32
    %get3A_363 = arith.index_cast %get3A_362 : i32 to index
    %get3A_364 = arith.constant 112 : index
    %get3A_365 = tpu.vector_load %arg6[%get3A_363, %get3A_364] {strides = array<i32>} : memref<64x200xi32, #tpu.memory_space<vmem>>, vector<16xi32>,
    %swap3A_366 = arith.constant 2 : i32
    %swap3A_367 = arith.index_cast %swap3A_366 : i32 to index
    %swap3A_368 = arith.constant 112 : index
    %swap3A_369 = tpu.vector_load %arg7[%swap3A_367, %swap3A_368] {strides = array<i32>} : memref<3x128xi32, #tpu.memory_space<vmem>>, vector<16xi32>,
    tpu.vector_store %arg7[%swap3A_367, %swap3A_368], %get3A_365 {strides = array<i32>} : memref<3x128xi32, #tpu.memory_space<vmem>>, vector<16xi32>,
    %get3A_370 = arith.constant 2 : i32
    %get3A_371 = arith.index_cast %get3A_370 : i32 to index
    %get3A_372 = arith.constant 128 : index
    %get3A_373 = tpu.vector_load %arg6[%get3A_371, %get3A_372] {strides = array<i32>} : memref<64x200xi32, #tpu.memory_space<vmem>>, vector<16xi32>,
    %swap3A_374 = arith.constant 2 : i32
    %swap3A_375 = arith.index_cast %swap3A_374 : i32 to index
    %swap3A_376 = arith.constant 0 : index
    %swap3A_377 = tpu.vector_load %arg8[%swap3A_375, %swap3A_376] {strides = array<i32>} : memref<3x72xi32, #tpu.memory_space<vmem>>, vector<16xi32>,
    tpu.vector_store %arg8[%swap3A_375, %swap3A_376], %get3A_373 {strides = array<i32>} : memref<3x72xi32, #tpu.memory_space<vmem>>, vector<16xi32>,
    %get3A_378 = arith.constant 2 : i32
    %get3A_379 = arith.index_cast %get3A_378 : i32 to index
    %get3A_380 = arith.constant 144 : index
    %get3A_381 = tpu.vector_load %arg6[%get3A_379, %get3A_380] {strides = array<i32>} : memref<64x200xi32, #tpu.memory_space<vmem>>, vector<16xi32>,
    %swap3A_382 = arith.constant 2 : i32
    %swap3A_383 = arith.index_cast %swap3A_382 : i32 to index
    %swap3A_384 = arith.constant 16 : index
    %swap3A_385 = tpu.vector_load %arg8[%swap3A_383, %swap3A_384] {strides = array<i32>} : memref<3x72xi32, #tpu.memory_space<vmem>>, vector<16xi32>,
    tpu.vector_store %arg8[%swap3A_383, %swap3A_384], %get3A_381 {strides = array<i32>} : memref<3x72xi32, #tpu.memory_space<vmem>>, vector<16xi32>,
    %get3A_386 = arith.constant 2 : i32
    %get3A_387 = arith.index_cast %get3A_386 : i32 to index
    %get3A_388 = arith.constant 160 : index
    %get3A_389 = tpu.vector_load %arg6[%get3A_387, %get3A_388] {strides = array<i32>} : memref<64x200xi32, #tpu.memory_space<vmem>>, vector<16xi32>,
    %swap3A_390 = arith.constant 2 : i32
    %swap3A_391 = arith.index_cast %swap3A_390 : i32 to index
    %swap3A_392 = arith.constant 32 : index
    %swap3A_393 = tpu.vector_load %arg8[%swap3A_391, %swap3A_392] {strides = array<i32>} : memref<3x72xi32, #tpu.memory_space<vmem>>, vector<16xi32>,
    tpu.vector_store %arg8[%swap3A_391, %swap3A_392], %get3A_389 {strides = array<i32>} : memref<3x72xi32, #tpu.memory_space<vmem>>, vector<16xi32>,
    %get3A_394 = arith.constant 2 : i32
    %get3A_395 = arith.index_cast %get3A_394 : i32 to index
    %get3A_396 = arith.constant 176 : index
    %get3A_397 = tpu.vector_load %arg6[%get3A_395, %get3A_396] {strides = array<i32>} : memref<64x200xi32, #tpu.memory_space<vmem>>, vector<16xi32>,
    %swap3A_398 = arith.constant 2 : i32
    %swap3A_399 = arith.index_cast %swap3A_398 : i32 to index
    %swap3A_400 = arith.constant 48 : index
    %swap3A_401 = tpu.vector_load %arg8[%swap3A_399, %swap3A_400] {strides = array<i32>} : memref<3x72xi32, #tpu.memory_space<vmem>>, vector<16xi32>,
    tpu.vector_store %arg8[%swap3A_399, %swap3A_400], %get3A_397 {strides = array<i32>} : memref<3x72xi32, #tpu.memory_space<vmem>>, vector<16xi32>,
    %get3A_402 = arith.constant 2 : i32
    %get3A_403 = arith.index_cast %get3A_402 : i32 to index
    %get3A_404 = arith.constant 184 : index
    %get3A_405 = tpu.vector_load %arg6[%get3A_403, %get3A_404] {strides = array<i32>} : memref<64x200xi32, #tpu.memory_space<vmem>>, vector<16xi32>,
    %swap3A_406 = arith.constant 2 : i32
    %swap3A_407 = arith.index_cast %swap3A_406 : i32 to index
    %swap3A_408 = arith.constant 56 : index
    %swap3A_409 = tpu.vector_load %arg8[%swap3A_407, %swap3A_408] {strides = array<i32>} : memref<3x72xi32, #tpu.memory_space<vmem>>, vector<16xi32>,
    tpu.vector_store %arg8[%swap3A_407, %swap3A_408], %get3A_405 {strides = array<i32>} : memref<3x72xi32, #tpu.memory_space<vmem>>, vector<16xi32>,
    %dma_start3A_410 = arith.constant 2 : i32
    %dma_start3A_411 = arith.constant 2 : i32
    %dma_start3A_412 = arith.constant 400 : i32
    %dma_start3A_413 = arith.constant 0 : i32
    %dma_start3A_414 = tpu.memref_slice %arg9[%dma_start3A_412, %dma_start3A_413] : memref<600x128xf32, #tpu.memory_space<vmem>> -> memref<128x128xf32, #tpu.memory_space<vmem>>
    %dma_start3A_415 = arith.constant 0 : i32
    %dma_start3A_416 = tpu.memref_slice %arg7[%dma_start3A_410, %dma_start3A_415] : memref<3x128xi32, #tpu.memory_space<vmem>> -> memref<1x128xi32, #tpu.memory_space<vmem>>
    %dma_start3A_417 = tpu.memref_squeeze %dma_start3A_416 : memref<1x128xi32, #tpu.memory_space<vmem>> -> memref<128xi32, #tpu.memory_space<vmem>>
    %dma_start3A_418 = arith.constant 0 : i32
    %dma_start3A_419 = arith.constant 0 : i32
    %dma_start3A_420 = tpu.memref_slice %arg3[%dma_start3A_418, %dma_start3A_419] : memref<100000x128xf32, #tpu.memory_space<hbm>> -> memref<100000x128xf32, #tpu.memory_space<hbm>>
    %dma_start3A_421 = tpu.memref_slice %arg11[%dma_start3A_411] : memref<3x!tpu.dma_semaphore, #tpu.memory_space<semaphore_mem>> -> memref<1x!tpu.dma_semaphore, #tpu.memory_space<semaphore_mem>>
    %dma_start3A_422 = tpu.memref_squeeze %dma_start3A_421 : memref<1x!tpu.dma_semaphore, #tpu.memory_space<semaphore_mem>> -> memref<!tpu.dma_semaphore, #tpu.memory_space<semaphore_mem>>
    tpu.enqueue_indirect_dma source(%dma_start3A_420 : memref<100000x128xf32, #tpu.memory_space<hbm>>) target(%dma_start3A_414 : memref<128x128xf32, #tpu.memory_space<vmem>>) offsets(%dma_start3A_417 : memref<128xi32, #tpu.memory_space<vmem>>) semaphore(%dma_start3A_422 : memref<!tpu.dma_semaphore, #tpu.memory_space<semaphore_mem>>)
    %dma_start3A_423 = arith.constant 2 : i32
    %dma_start3A_424 = arith.constant 2 : i32
    %dma_start3A_425 = arith.constant 528 : i32
    %dma_start3A_426 = arith.constant 0 : i32
    %dma_start3A_427 = tpu.memref_slice %arg9[%dma_start3A_425, %dma_start3A_426] : memref<600x128xf32, #tpu.memory_space<vmem>> -> memref<72x128xf32, #tpu.memory_space<vmem>>
    %dma_start3A_428 = arith.constant 0 : i32
    %dma_start3A_429 = tpu.memref_slice %arg8[%dma_start3A_423, %dma_start3A_428] : memref<3x72xi32, #tpu.memory_space<vmem>> -> memref<1x72xi32, #tpu.memory_space<vmem>>
    %dma_start3A_430 = tpu.memref_squeeze %dma_start3A_429 : memref<1x72xi32, #tpu.memory_space<vmem>> -> memref<72xi32, #tpu.memory_space<vmem>>
    %dma_start3A_431 = arith.constant 0 : i32
    %dma_start3A_432 = arith.constant 0 : i32
    %dma_start3A_433 = tpu.memref_slice %arg3[%dma_start3A_431, %dma_start3A_432] : memref<100000x128xf32, #tpu.memory_space<hbm>> -> memref<100000x128xf32, #tpu.memory_space<hbm>>
    %dma_start3A_434 = tpu.memref_slice %arg11[%dma_start3A_424] : memref<3x!tpu.dma_semaphore, #tpu.memory_space<semaphore_mem>> -> memref<1x!tpu.dma_semaphore, #tpu.memory_space<semaphore_mem>>
    %dma_start3A_435 = tpu.memref_squeeze %dma_start3A_434 : memref<1x!tpu.dma_semaphore, #tpu.memory_space<semaphore_mem>> -> memref<!tpu.dma_semaphore, #tpu.memory_space<semaphore_mem>>
    tpu.enqueue_indirect_dma source(%dma_start3A_433 : memref<100000x128xf32, #tpu.memory_space<hbm>>) target(%dma_start3A_427 : memref<72x128xf32, #tpu.memory_space<vmem>>) offsets(%dma_start3A_430 : memref<72xi32, #tpu.memory_space<vmem>>) semaphore(%dma_start3A_435 : memref<!tpu.dma_semaphore, #tpu.memory_space<semaphore_mem>>)
    %dma_wait3A_436 = arith.constant 0 : i32
    %dma_wait3A_437 = arith.constant 1 : i32
    %dma_wait3A_438 = arith.constant 200 : i32
    %dma_wait3A_439 = arith.constant 0 : i32
    %dma_wait3A_440 = tpu.memref_slice %arg9[%dma_wait3A_438, %dma_wait3A_439] : memref<600x128xf32, #tpu.memory_space<vmem>> -> memref<128x128xf32, #tpu.memory_space<vmem>>
    %dma_wait3A_441 = arith.constant 0 : i32
    %dma_wait3A_442 = tpu.memref_slice %arg7[%dma_wait3A_436, %dma_wait3A_441] : memref<3x128xi32, #tpu.memory_space<vmem>> -> memref<1x128xi32, #tpu.memory_space<vmem>>
    %dma_wait3A_443 = tpu.memref_squeeze %dma_wait3A_442 : memref<1x128xi32, #tpu.memory_space<vmem>> -> memref<128xi32, #tpu.memory_space<vmem>>
    %dma_wait3A_444 = arith.constant 0 : i32
    %dma_wait3A_445 = arith.constant 0 : i32
    %dma_wait3A_446 = tpu.memref_slice %arg3[%dma_wait3A_444, %dma_wait3A_445] : memref<100000x128xf32, #tpu.memory_space<hbm>> -> memref<100000x128xf32, #tpu.memory_space<hbm>>
    %dma_wait3A_447 = tpu.memref_slice %arg11[%dma_wait3A_437] : memref<3x!tpu.dma_semaphore, #tpu.memory_space<semaphore_mem>> -> memref<1x!tpu.dma_semaphore, #tpu.memory_space<semaphore_mem>>
    %dma_wait3A_448 = tpu.memref_squeeze %dma_wait3A_447 : memref<1x!tpu.dma_semaphore, #tpu.memory_space<semaphore_mem>> -> memref<!tpu.dma_semaphore, #tpu.memory_space<semaphore_mem>>
    tpu.wait_indirect_dma semaphore(%dma_wait3A_448 : memref<!tpu.dma_semaphore, #tpu.memory_space<semaphore_mem>>) src(%dma_wait3A_446 : memref<100000x128xf32, #tpu.memory_space<hbm>>) dst(%dma_wait3A_440 : memref<128x128xf32, #tpu.memory_space<vmem>>)
    %dma_wait3A_449 = arith.constant 0 : i32
    %dma_wait3A_450 = arith.constant 1 : i32
    %dma_wait3A_451 = arith.constant 328 : i32
    %dma_wait3A_452 = arith.constant 0 : i32
    %dma_wait3A_453 = tpu.memref_slice %arg9[%dma_wait3A_451, %dma_wait3A_452] : memref<600x128xf32, #tpu.memory_space<vmem>> -> memref<72x128xf32, #tpu.memory_space<vmem>>
    %dma_wait3A_454 = arith.constant 0 : i32
    %dma_wait3A_455 = tpu.memref_slice %arg8[%dma_wait3A_449, %dma_wait3A_454] : memref<3x72xi32, #tpu.memory_space<vmem>> -> memref<1x72xi32, #tpu.memory_space<vmem>>
    %dma_wait3A_456 = tpu.memref_squeeze %dma_wait3A_455 : memref<1x72xi32, #tpu.memory_space<vmem>> -> memref<72xi32, #tpu.memory_space<vmem>>
    %dma_wait3A_457 = arith.constant 0 : i32
    %dma_wait3A_458 = arith.constant 0 : i32
    %dma_wait3A_459 = tpu.memref_slice %arg3[%dma_wait3A_457, %dma_wait3A_458] : memref<100000x128xf32, #tpu.memory_space<hbm>> -> memref<100000x128xf32, #tpu.memory_space<hbm>>
    %dma_wait3A_460 = tpu.memref_slice %arg11[%dma_wait3A_450] : memref<3x!tpu.dma_semaphore, #tpu.memory_space<semaphore_mem>> -> memref<1x!tpu.dma_semaphore, #tpu.memory_space<semaphore_mem>>
    %dma_wait3A_461 = tpu.memref_squeeze %dma_wait3A_460 : memref<1x!tpu.dma_semaphore, #tpu.memory_space<semaphore_mem>> -> memref<!tpu.dma_semaphore, #tpu.memory_space<semaphore_mem>>
    tpu.wait_indirect_dma semaphore(%dma_wait3A_461 : memref<!tpu.dma_semaphore, #tpu.memory_space<semaphore_mem>>) src(%dma_wait3A_459 : memref<100000x128xf32, #tpu.memory_space<hbm>>) dst(%dma_wait3A_453 : memref<72x128xf32, #tpu.memory_space<vmem>>)
    %parallel_loop3A_462 = arith.constant 0 : i32
    %parallel_loop3A_463 = arith.constant 200 : i32
    %parallel_loop3A_464 = arith.constant 1 : i32
    scf.for %parallel_loop3A_707 = %parallel_loop3A_462 to %parallel_loop3A_463 step %parallel_loop3A_464  : i32 {
      %parallel_loop3A_708 = arith.constant 200 : i32
      %parallel_loop3A_709 = arith.addi %parallel_loop3A_708, %parallel_loop3A_707 : i32
      %parallel_loop3A_710 = arith.index_cast %parallel_loop3A_709 : i32 to index
      %parallel_loop3A_711 = arith.constant 0 : index
      %parallel_loop3A_712 = tpu.vector_load %arg9[%parallel_loop3A_710, %parallel_loop3A_711] {strides = array<i32>} : memref<600x128xf32, #tpu.memory_space<vmem>>, vector<16xf32>,
      %parallel_loop3A_713 = arith.index_cast %parallel_loop3A_707 : i32 to index
      %parallel_loop3A_714 = arith.constant 0 : index
      %parallel_loop3A_715 = tpu.vector_load %arg10[%parallel_loop3A_713, %parallel_loop3A_714] {strides = array<i32>} : memref<200x64xf32, #tpu.memory_space<vmem>>, vector<16xf32>,
      %parallel_loop3A_716 = arith.addf %parallel_loop3A_712, %parallel_loop3A_715 : vector<16xf32>
      %parallel_loop3A_717 = arith.constant 200 : i32
      %parallel_loop3A_718 = arith.addi %parallel_loop3A_717, %parallel_loop3A_707 : i32
      %parallel_loop3A_719 = arith.index_cast %parallel_loop3A_718 : i32 to index
      %parallel_loop3A_720 = arith.constant 0 : index
      %parallel_loop3A_721 = tpu.vector_load %arg9[%parallel_loop3A_719, %parallel_loop3A_720] {strides = array<i32>} : memref<600x128xf32, #tpu.memory_space<vmem>>, vector<16xf32>,
      tpu.vector_store %arg9[%parallel_loop3A_719, %parallel_loop3A_720], %parallel_loop3A_716 {strides = array<i32>} : memref<600x128xf32, #tpu.memory_space<vmem>>, vector<16xf32>,
      %parallel_loop3A_722 = arith.constant 200 : i32
      %parallel_loop3A_723 = arith.addi %parallel_loop3A_722, %parallel_loop3A_707 : i32
      %parallel_loop3A_724 = arith.index_cast %parallel_loop3A_723 : i32 to index
      %parallel_loop3A_725 = arith.constant 16 : index
      %parallel_loop3A_726 = tpu.vector_load %arg9[%parallel_loop3A_724, %parallel_loop3A_725] {strides = array<i32>} : memref<600x128xf32, #tpu.memory_space<vmem>>, vector<16xf32>,
      %parallel_loop3A_727 = arith.index_cast %parallel_loop3A_707 : i32 to index
      %parallel_loop3A_728 = arith.constant 16 : index
      %parallel_loop3A_729 = tpu.vector_load %arg10[%parallel_loop3A_727, %parallel_loop3A_728] {strides = array<i32>} : memref<200x64xf32, #tpu.memory_space<vmem>>, vector<16xf32>,
      %parallel_loop3A_730 = arith.addf %parallel_loop3A_726, %parallel_loop3A_729 : vector<16xf32>
      %parallel_loop3A_731 = arith.constant 200 : i32
      %parallel_loop3A_732 = arith.addi %parallel_loop3A_731, %parallel_loop3A_707 : i32
      %parallel_loop3A_733 = arith.index_cast %parallel_loop3A_732 : i32 to index
      %parallel_loop3A_734 = arith.constant 16 : index
      %parallel_loop3A_735 = tpu.vector_load %arg9[%parallel_loop3A_733, %parallel_loop3A_734] {strides = array<i32>} : memref<600x128xf32, #tpu.memory_space<vmem>>, vector<16xf32>,
      tpu.vector_store %arg9[%parallel_loop3A_733, %parallel_loop3A_734], %parallel_loop3A_730 {strides = array<i32>} : memref<600x128xf32, #tpu.memory_space<vmem>>, vector<16xf32>,
      %parallel_loop3A_736 = arith.constant 200 : i32
      %parallel_loop3A_737 = arith.addi %parallel_loop3A_736, %parallel_loop3A_707 : i32
      %parallel_loop3A_738 = arith.index_cast %parallel_loop3A_737 : i32 to index
      %parallel_loop3A_739 = arith.constant 32 : index
      %parallel_loop3A_740 = tpu.vector_load %arg9[%parallel_loop3A_738, %parallel_loop3A_739] {strides = array<i32>} : memref<600x128xf32, #tpu.memory_space<vmem>>, vector<16xf32>,
      %parallel_loop3A_741 = arith.index_cast %parallel_loop3A_707 : i32 to index
      %parallel_loop3A_742 = arith.constant 32 : index
      %parallel_loop3A_743 = tpu.vector_load %arg10[%parallel_loop3A_741, %parallel_loop3A_742] {strides = array<i32>} : memref<200x64xf32, #tpu.memory_space<vmem>>, vector<16xf32>,
      %parallel_loop3A_744 = arith.addf %parallel_loop3A_740, %parallel_loop3A_743 : vector<16xf32>
      %parallel_loop3A_745 = arith.constant 200 : i32
      %parallel_loop3A_746 = arith.addi %parallel_loop3A_745, %parallel_loop3A_707 : i32
      %parallel_loop3A_747 = arith.index_cast %parallel_loop3A_746 : i32 to index
      %parallel_loop3A_748 = arith.constant 32 : index
      %parallel_loop3A_749 = tpu.vector_load %arg9[%parallel_loop3A_747, %parallel_loop3A_748] {strides = array<i32>} : memref<600x128xf32, #tpu.memory_space<vmem>>, vector<16xf32>,
      tpu.vector_store %arg9[%parallel_loop3A_747, %parallel_loop3A_748], %parallel_loop3A_744 {strides = array<i32>} : memref<600x128xf32, #tpu.memory_space<vmem>>, vector<16xf32>,
      %parallel_loop3A_750 = arith.constant 200 : i32
      %parallel_loop3A_751 = arith.addi %parallel_loop3A_750, %parallel_loop3A_707 : i32
      %parallel_loop3A_752 = arith.index_cast %parallel_loop3A_751 : i32 to index
      %parallel_loop3A_753 = arith.constant 48 : index
      %parallel_loop3A_754 = tpu.vector_load %arg9[%parallel_loop3A_752, %parallel_loop3A_753] {strides = array<i32>} : memref<600x128xf32, #tpu.memory_space<vmem>>, vector<16xf32>,
      %parallel_loop3A_755 = arith.index_cast %parallel_loop3A_707 : i32 to index
      %parallel_loop3A_756 = arith.constant 48 : index
      %parallel_loop3A_757 = tpu.vector_load %arg10[%parallel_loop3A_755, %parallel_loop3A_756] {strides = array<i32>} : memref<200x64xf32, #tpu.memory_space<vmem>>, vector<16xf32>,
      %parallel_loop3A_758 = arith.addf %parallel_loop3A_754, %parallel_loop3A_757 : vector<16xf32>
      %parallel_loop3A_759 = arith.constant 200 : i32
      %parallel_loop3A_760 = arith.addi %parallel_loop3A_759, %parallel_loop3A_707 : i32
      %parallel_loop3A_761 = arith.index_cast %parallel_loop3A_760 : i32 to index
      %parallel_loop3A_762 = arith.constant 48 : index
      %parallel_loop3A_763 = tpu.vector_load %arg9[%parallel_loop3A_761, %parallel_loop3A_762] {strides = array<i32>} : memref<600x128xf32, #tpu.memory_space<vmem>>, vector<16xf32>,
      tpu.vector_store %arg9[%parallel_loop3A_761, %parallel_loop3A_762], %parallel_loop3A_758 {strides = array<i32>} : memref<600x128xf32, #tpu.memory_space<vmem>>, vector<16xf32>,
    } {sc.loop_unroll_factor = 8 : i64, sc.parallel_access}
    %add3A_465 = arith.constant 1 : i32
    %add3A_466 = arith.addi %mul3A_2, %add3A_465 : i32
    %dma_start3A_467 = arith.constant 1 : i32
    %dma_start3A_468 = arith.constant 200 : i32
    %dma_start3A_469 = arith.constant 0 : i32
    %dma_start3A_470 = tpu.memref_slice %arg9[%dma_start3A_468, %dma_start3A_469] : memref<600x128xf32, #tpu.memory_space<vmem>> -> memref<200x128xf32, #tpu.memory_space<vmem>>
    %dma_start3A_471 = arith.constant 0 : i32
    %dma_start3A_472 = arith.constant 0 : i32
    %dma_start3A_473 = tpu.memref_slice %arg5[%add3A_466, %dma_start3A_471, %dma_start3A_472] : memref<4096x200x128xf32, #tpu.memory_space<hbm>> -> memref<1x200x128xf32, #tpu.memory_space<hbm>>
    %dma_start3A_474 = tpu.memref_squeeze %dma_start3A_473 : memref<1x200x128xf32, #tpu.memory_space<hbm>> -> memref<200x128xf32, #tpu.memory_space<hbm>>
    %dma_start3A_475 = tpu.memref_slice %arg12[%dma_start3A_467] : memref<3x!tpu.dma_semaphore, #tpu.memory_space<semaphore_mem>> -> memref<1x!tpu.dma_semaphore, #tpu.memory_space<semaphore_mem>>
    %dma_start3A_476 = tpu.memref_squeeze %dma_start3A_475 : memref<1x!tpu.dma_semaphore, #tpu.memory_space<semaphore_mem>> -> memref<!tpu.dma_semaphore, #tpu.memory_space<semaphore_mem>>
    %dma_start3A_477 = arith.constant 0 : i32
    %dma_start3A_478 = arith.constant 0 : i32
    %dma_start3A_479 = tpu.memref_slice %arg5[%add3A_466, %dma_start3A_477, %dma_start3A_478] : memref<4096x200x128xf32, #tpu.memory_space<hbm>> -> memref<1x200x128xf32, #tpu.memory_space<hbm>>
    %dma_start3A_480 = tpu.memref_squeeze %dma_start3A_479 : memref<1x200x128xf32, #tpu.memory_space<hbm>> -> memref<200x128xf32, #tpu.memory_space<hbm>>
    %dma_start3A_481 = arith.constant 200 : i32
    %dma_start3A_482 = arith.constant 0 : i32
    %dma_start3A_483 = tpu.memref_slice %arg9[%dma_start3A_481, %dma_start3A_482] : memref<600x128xf32, #tpu.memory_space<vmem>> -> memref<200x128xf32, #tpu.memory_space<vmem>>
    tpu.enqueue_dma source(%dma_start3A_483 : memref<200x128xf32, #tpu.memory_space<vmem>>) target(%dma_start3A_480 : memref<200x128xf32, #tpu.memory_space<hbm>>) target_semaphore(%dma_start3A_476 : memref<!tpu.dma_semaphore, #tpu.memory_space<semaphore_mem>>)
    %dma_wait3A_484 = arith.constant 0 : i32
    %dma_wait3A_485 = arith.constant 0 : i32
    %dma_wait3A_486 = arith.constant 0 : i32
    %dma_wait3A_487 = arith.constant 0 : i32
    %dma_wait3A_488 = tpu.memref_slice %arg9[%dma_wait3A_486, %dma_wait3A_487] : memref<600x128xf32, #tpu.memory_space<vmem>> -> memref<200x128xf32, #tpu.memory_space<vmem>>
    %dma_wait3A_489 = arith.constant 0 : i32
    %dma_wait3A_490 = arith.constant 0 : i32
    %dma_wait3A_491 = tpu.memref_slice %arg5[%dma_wait3A_484, %dma_wait3A_489, %dma_wait3A_490] : memref<4096x200x128xf32, #tpu.memory_space<hbm>> -> memref<1x200x128xf32, #tpu.memory_space<hbm>>
    %dma_wait3A_492 = tpu.memref_squeeze %dma_wait3A_491 : memref<1x200x128xf32, #tpu.memory_space<hbm>> -> memref<200x128xf32, #tpu.memory_space<hbm>>
    %dma_wait3A_493 = tpu.memref_slice %arg12[%dma_wait3A_485] : memref<3x!tpu.dma_semaphore, #tpu.memory_space<semaphore_mem>> -> memref<1x!tpu.dma_semaphore, #tpu.memory_space<semaphore_mem>>
    %dma_wait3A_494 = tpu.memref_squeeze %dma_wait3A_493 : memref<1x!tpu.dma_semaphore, #tpu.memory_space<semaphore_mem>> -> memref<!tpu.dma_semaphore, #tpu.memory_space<semaphore_mem>>
    %dma_wait3A_495 = arith.constant 0 : i32
    %dma_wait3A_496 = arith.constant 0 : i32
    %dma_wait3A_497 = tpu.memref_slice %arg5[%dma_wait3A_484, %dma_wait3A_495, %dma_wait3A_496] : memref<4096x200x128xf32, #tpu.memory_space<hbm>> -> memref<1x200x128xf32, #tpu.memory_space<hbm>>
    %dma_wait3A_498 = tpu.memref_squeeze %dma_wait3A_497 : memref<1x200x128xf32, #tpu.memory_space<hbm>> -> memref<200x128xf32, #tpu.memory_space<hbm>>
    %dma_wait3A_499 = arith.constant 0 : i32
    %dma_wait3A_500 = arith.constant 0 : i32
    %dma_wait3A_501 = tpu.memref_slice %arg9[%dma_wait3A_499, %dma_wait3A_500] : memref<600x128xf32, #tpu.memory_space<vmem>> -> memref<200x128xf32, #tpu.memory_space<vmem>>
    tpu.wait_dma2 semaphore(%dma_wait3A_494 : memref<!tpu.dma_semaphore, #tpu.memory_space<semaphore_mem>>) src(%dma_wait3A_501 : memref<200x128xf32, #tpu.memory_space<vmem>>) dst(%dma_wait3A_498 : memref<200x128xf32, #tpu.memory_space<hbm>>)
    %get3A_502 = arith.constant 3 : i32
    %get3A_503 = arith.index_cast %get3A_502 : i32 to index
    %get3A_504 = arith.constant 0 : index
    %get3A_505 = tpu.vector_load %arg6[%get3A_503, %get3A_504] {strides = array<i32>} : memref<64x200xi32, #tpu.memory_space<vmem>>, vector<16xi32>,
    %swap3A_506 = arith.constant 0 : i32
    %swap3A_507 = arith.index_cast %swap3A_506 : i32 to index
    %swap3A_508 = arith.constant 0 : index
    %swap3A_509 = tpu.vector_load %arg7[%swap3A_507, %swap3A_508] {strides = array<i32>} : memref<3x128xi32, #tpu.memory_space<vmem>>, vector<16xi32>,
    tpu.vector_store %arg7[%swap3A_507, %swap3A_508], %get3A_505 {strides = array<i32>} : memref<3x128xi32, #tpu.memory_space<vmem>>, vector<16xi32>,
    %get3A_510 = arith.constant 3 : i32
    %get3A_511 = arith.index_cast %get3A_510 : i32 to index
    %get3A_512 = arith.constant 16 : index
    %get3A_513 = tpu.vector_load %arg6[%get3A_511, %get3A_512] {strides = array<i32>} : memref<64x200xi32, #tpu.memory_space<vmem>>, vector<16xi32>,
    %swap3A_514 = arith.constant 0 : i32
    %swap3A_515 = arith.index_cast %swap3A_514 : i32 to index
    %swap3A_516 = arith.constant 16 : index
    %swap3A_517 = tpu.vector_load %arg7[%swap3A_515, %swap3A_516] {strides = array<i32>} : memref<3x128xi32, #tpu.memory_space<vmem>>, vector<16xi32>,
    tpu.vector_store %arg7[%swap3A_515, %swap3A_516], %get3A_513 {strides = array<i32>} : memref<3x128xi32, #tpu.memory_space<vmem>>, vector<16xi32>,
    %get3A_518 = arith.constant 3 : i32
    %get3A_519 = arith.index_cast %get3A_518 : i32 to index
    %get3A_520 = arith.constant 32 : index
    %get3A_521 = tpu.vector_load %arg6[%get3A_519, %get3A_520] {strides = array<i32>} : memref<64x200xi32, #tpu.memory_space<vmem>>, vector<16xi32>,
    %swap3A_522 = arith.constant 0 : i32
    %swap3A_523 = arith.index_cast %swap3A_522 : i32 to index
    %swap3A_524 = arith.constant 32 : index
    %swap3A_525 = tpu.vector_load %arg7[%swap3A_523, %swap3A_524] {strides = array<i32>} : memref<3x128xi32, #tpu.memory_space<vmem>>, vector<16xi32>,
    tpu.vector_store %arg7[%swap3A_523, %swap3A_524], %get3A_521 {strides = array<i32>} : memref<3x128xi32, #tpu.memory_space<vmem>>, vector<16xi32>,
    %get3A_526 = arith.constant 3 : i32
    %get3A_527 = arith.index_cast %get3A_526 : i32 to index
    %get3A_528 = arith.constant 48 : index
    %get3A_529 = tpu.vector_load %arg6[%get3A_527, %get3A_528] {strides = array<i32>} : memref<64x200xi32, #tpu.memory_space<vmem>>, vector<16xi32>,
    %swap3A_530 = arith.constant 0 : i32
    %swap3A_531 = arith.index_cast %swap3A_530 : i32 to index
    %swap3A_532 = arith.constant 48 : index
    %swap3A_533 = tpu.vector_load %arg7[%swap3A_531, %swap3A_532] {strides = array<i32>} : memref<3x128xi32, #tpu.memory_space<vmem>>, vector<16xi32>,
    tpu.vector_store %arg7[%swap3A_531, %swap3A_532], %get3A_529 {strides = array<i32>} : memref<3x128xi32, #tpu.memory_space<vmem>>, vector<16xi32>,
    %get3A_534 = arith.constant 3 : i32
    %get3A_535 = arith.index_cast %get3A_534 : i32 to index
    %get3A_536 = arith.constant 64 : index
    %get3A_537 = tpu.vector_load %arg6[%get3A_535, %get3A_536] {strides = array<i32>} : memref<64x200xi32, #tpu.memory_space<vmem>>, vector<16xi32>,
    %swap3A_538 = arith.constant 0 : i32
    %swap3A_539 = arith.index_cast %swap3A_538 : i32 to index
    %swap3A_540 = arith.constant 64 : index
    %swap3A_541 = tpu.vector_load %arg7[%swap3A_539, %swap3A_540] {strides = array<i32>} : memref<3x128xi32, #tpu.memory_space<vmem>>, vector<16xi32>,
    tpu.vector_store %arg7[%swap3A_539, %swap3A_540], %get3A_537 {strides = array<i32>} : memref<3x128xi32, #tpu.memory_space<vmem>>, vector<16xi32>,
    %get3A_542 = arith.constant 3 : i32
    %get3A_543 = arith.index_cast %get3A_542 : i32 to index
    %get3A_544 = arith.constant 80 : index
    %get3A_545 = tpu.vector_load %arg6[%get3A_543, %get3A_544] {strides = array<i32>} : memref<64x200xi32, #tpu.memory_space<vmem>>, vector<16xi32>,
    %swap3A_546 = arith.constant 0 : i32
    %swap3A_547 = arith.index_cast %swap3A_546 : i32 to index
    %swap3A_548 = arith.constant 80 : index
    %swap3A_549 = tpu.vector_load %arg7[%swap3A_547, %swap3A_548] {strides = array<i32>} : memref<3x128xi32, #tpu.memory_space<vmem>>, vector<16xi32>,
    tpu.vector_store %arg7[%swap3A_547, %swap3A_548], %get3A_545 {strides = array<i32>} : memref<3x128xi32, #tpu.memory_space<vmem>>, vector<16xi32>,
    %get3A_550 = arith.constant 3 : i32
    %get3A_551 = arith.index_cast %get3A_550 : i32 to index
    %get3A_552 = arith.constant 96 : index
    %get3A_553 = tpu.vector_load %arg6[%get3A_551, %get3A_552] {strides = array<i32>} : memref<64x200xi32, #tpu.memory_space<vmem>>, vector<16xi32>,
    %swap3A_554 = arith.constant 0 : i32
    %swap3A_555 = arith.index_cast %swap3A_554 : i32 to index
    %swap3A_556 = arith.constant 96 : index
    %swap3A_557 = tpu.vector_load %arg7[%swap3A_555, %swap3A_556] {strides = array<i32>} : memref<3x128xi32, #tpu.memory_space<vmem>>, vector<16xi32>,
    tpu.vector_store %arg7[%swap3A_555, %swap3A_556], %get3A_553 {strides = array<i32>} : memref<3x128xi32, #tpu.memory_space<vmem>>, vector<16xi32>,
    %get3A_558 = arith.constant 3 : i32
    %get3A_559 = arith.index_cast %get3A_558 : i32 to index
    %get3A_560 = arith.constant 112 : index
    %get3A_561 = tpu.vector_load %arg6[%get3A_559, %get3A_560] {strides = array<i32>} : memref<64x200xi32, #tpu.memory_space<vmem>>, vector<16xi32>,
    %swap3A_562 = arith.constant 0 : i32
    %swap3A_563 = arith.index_cast %swap3A_562 : i32 to index
    %swap3A_564 = arith.constant 112 : index
    %swap3A_565 = tpu.vector_load %arg7[%swap3A_563, %swap3A_564] {strides = array<i32>} : memref<3x128xi32, #tpu.memory_space<vmem>>, vector<16xi32>,
    tpu.vector_store %arg7[%swap3A_563, %swap3A_564], %get3A_561 {strides = array<i32>} : memref<3x128xi32, #tpu.memory_space<vmem>>, vector<16xi32>,
    %get3A_566 = arith.constant 3 : i32
    %get3A_567 = arith.index_cast %get3A_566 : i32 to index
    %get3A_568 = arith.constant 128 : index
    %get3A_569 = tpu.vector_load %arg6[%get3A_567, %get3A_568] {strides = array<i32>} : memref<64x200xi32, #tpu.memory_space<vmem>>, vector<16xi32>,
    %swap3A_570 = arith.constant 0 : i32
    %swap3A_571 = arith.index_cast %swap3A_570 : i32 to index
    %swap3A_572 = arith.constant 0 : index
    %swap3A_573 = tpu.vector_load %arg8[%swap3A_571, %swap3A_572] {strides = array<i32>} : memref<3x72xi32, #tpu.memory_space<vmem>>, vector<16xi32>,
    tpu.vector_store %arg8[%swap3A_571, %swap3A_572], %get3A_569 {strides = array<i32>} : memref<3x72xi32, #tpu.memory_space<vmem>>, vector<16xi32>,
    %get3A_574 = arith.constant 3 : i32
    %get3A_575 = arith.index_cast %get3A_574 : i32 to index
    %get3A_576 = arith.constant 144 : index
    %get3A_577 = tpu.vector_load %arg6[%get3A_575, %get3A_576] {strides = array<i32>} : memref<64x200xi32, #tpu.memory_space<vmem>>, vector<16xi32>,
    %swap3A_578 = arith.constant 0 : i32
    %swap3A_579 = arith.index_cast %swap3A_578 : i32 to index
    %swap3A_580 = arith.constant 16 : index
    %swap3A_581 = tpu.vector_load %arg8[%swap3A_579, %swap3A_580] {strides = array<i32>} : memref<3x72xi32, #tpu.memory_space<vmem>>, vector<16xi32>,
    tpu.vector_store %arg8[%swap3A_579, %swap3A_580], %get3A_577 {strides = array<i32>} : memref<3x72xi32, #tpu.memory_space<vmem>>, vector<16xi32>,
    %get3A_582 = arith.constant 3 : i32
    %get3A_583 = arith.index_cast %get3A_582 : i32 to index
    %get3A_584 = arith.constant 160 : index
    %get3A_585 = tpu.vector_load %arg6[%get3A_583, %get3A_584] {strides = array<i32>} : memref<64x200xi32, #tpu.memory_space<vmem>>, vector<16xi32>,
    %swap3A_586 = arith.constant 0 : i32
    %swap3A_587 = arith.index_cast %swap3A_586 : i32 to index
    %swap3A_588 = arith.constant 32 : index
    %swap3A_589 = tpu.vector_load %arg8[%swap3A_587, %swap3A_588] {strides = array<i32>} : memref<3x72xi32, #tpu.memory_space<vmem>>, vector<16xi32>,
    tpu.vector_store %arg8[%swap3A_587, %swap3A_588], %get3A_585 {strides = array<i32>} : memref<3x72xi32, #tpu.memory_space<vmem>>, vector<16xi32>,
    %get3A_590 = arith.constant 3 : i32
    %get3A_591 = arith.index_cast %get3A_590 : i32 to index
    %get3A_592 = arith.constant 176 : index
    %get3A_593 = tpu.vector_load %arg6[%get3A_591, %get3A_592] {strides = array<i32>} : memref<64x200xi32, #tpu.memory_space<vmem>>, vector<16xi32>,
    %swap3A_594 = arith.constant 0 : i32
    %swap3A_595 = arith.index_cast %swap3A_594 : i32 to index
    %swap3A_596 = arith.constant 48 : index
    %swap3A_597 = tpu.vector_load %arg8[%swap3A_595, %swap3A_596] {strides = array<i32>} : memref<3x72xi32, #tpu.memory_space<vmem>>, vector<16xi32>,
    tpu.vector_store %arg8[%swap3A_595, %swap3A_596], %get3A_593 {strides = array<i32>} : memref<3x72xi32, #tpu.memory_space<vmem>>, vector<16xi32>,
    %get3A_598 = arith.constant 3 : i32
    %get3A_599 = arith.index_cast %get3A_598 : i32 to index
    %get3A_600 = arith.constant 184 : index
    %get3A_601 = tpu.vector_load %arg6[%get3A_599, %get3A_600] {strides = array<i32>} : memref<64x200xi32, #tpu.memory_space<vmem>>, vector<16xi32>,
    %swap3A_602 = arith.constant 0 : i32
    %swap3A_603 = arith.index_cast %swap3A_602 : i32 to index
    %swap3A_604 = arith.constant 56 : index
    %swap3A_605 = tpu.vector_load %arg8[%swap3A_603, %swap3A_604] {strides = array<i32>} : memref<3x72xi32, #tpu.memory_space<vmem>>, vector<16xi32>,
    tpu.vector_store %arg8[%swap3A_603, %swap3A_604], %get3A_601 {strides = array<i32>} : memref<3x72xi32, #tpu.memory_space<vmem>>, vector<16xi32>,
    %dma_start3A_606 = arith.constant 0 : i32
    %dma_start3A_607 = arith.constant 0 : i32
    %dma_start3A_608 = arith.constant 0 : i32
    %dma_start3A_609 = arith.constant 0 : i32
    %dma_start3A_610 = tpu.memref_slice %arg9[%dma_start3A_608, %dma_start3A_609] : memref<600x128xf32, #tpu.memory_space<vmem>> -> memref<128x128xf32, #tpu.memory_space<vmem>>
    %dma_start3A_611 = arith.constant 0 : i32
    %dma_start3A_612 = tpu.memref_slice %arg7[%dma_start3A_606, %dma_start3A_611] : memref<3x128xi32, #tpu.memory_space<vmem>> -> memref<1x128xi32, #tpu.memory_space<vmem>>
    %dma_start3A_613 = tpu.memref_squeeze %dma_start3A_612 : memref<1x128xi32, #tpu.memory_space<vmem>> -> memref<128xi32, #tpu.memory_space<vmem>>
    %dma_start3A_614 = arith.constant 0 : i32
    %dma_start3A_615 = arith.constant 0 : i32
    %dma_start3A_616 = tpu.memref_slice %arg3[%dma_start3A_614, %dma_start3A_615] : memref<100000x128xf32, #tpu.memory_space<hbm>> -> memref<100000x128xf32, #tpu.memory_space<hbm>>
    %dma_start3A_617 = tpu.memref_slice %arg11[%dma_start3A_607] : memref<3x!tpu.dma_semaphore, #tpu.memory_space<semaphore_mem>> -> memref<1x!tpu.dma_semaphore, #tpu.memory_space<semaphore_mem>>
    %dma_start3A_618 = tpu.memref_squeeze %dma_start3A_617 : memref<1x!tpu.dma_semaphore, #tpu.memory_space<semaphore_mem>> -> memref<!tpu.dma_semaphore, #tpu.memory_space<semaphore_mem>>
    tpu.enqueue_indirect_dma source(%dma_start3A_616 : memref<100000x128xf32, #tpu.memory_space<hbm>>) target(%dma_start3A_610 : memref<128x128xf32, #tpu.memory_space<vmem>>) offsets(%dma_start3A_613 : memref<128xi32, #tpu.memory_space<vmem>>) semaphore(%dma_start3A_618 : memref<!tpu.dma_semaphore, #tpu.memory_space<semaphore_mem>>)
    %dma_start3A_619 = arith.constant 0 : i32
    %dma_start3A_620 = arith.constant 0 : i32
    %dma_start3A_621 = arith.constant 128 : i32
    %dma_start3A_622 = arith.constant 0 : i32
    %dma_start3A_623 = tpu.memref_slice %arg9[%dma_start3A_621, %dma_start3A_622] : memref<600x128xf32, #tpu.memory_space<vmem>> -> memref<72x128xf32, #tpu.memory_space<vmem>>
    %dma_start3A_624 = arith.constant 0 : i32
    %dma_start3A_625 = tpu.memref_slice %arg8[%dma_start3A_619, %dma_start3A_624] : memref<3x72xi32, #tpu.memory_space<vmem>> -> memref<1x72xi32, #tpu.memory_space<vmem>>
    %dma_start3A_626 = tpu.memref_squeeze %dma_start3A_625 : memref<1x72xi32, #tpu.memory_space<vmem>> -> memref<72xi32, #tpu.memory_space<vmem>>
    %dma_start3A_627 = arith.constant 0 : i32
    %dma_start3A_628 = arith.constant 0 : i32
    %dma_start3A_629 = tpu.memref_slice %arg3[%dma_start3A_627, %dma_start3A_628] : memref<100000x128xf32, #tpu.memory_space<hbm>> -> memref<100000x128xf32, #tpu.memory_space<hbm>>
    %dma_start3A_630 = tpu.memref_slice %arg11[%dma_start3A_620] : memref<3x!tpu.dma_semaphore, #tpu.memory_space<semaphore_mem>> -> memref<1x!tpu.dma_semaphore, #tpu.memory_space<semaphore_mem>>
    %dma_start3A_631 = tpu.memref_squeeze %dma_start3A_630 : memref<1x!tpu.dma_semaphore, #tpu.memory_space<semaphore_mem>> -> memref<!tpu.dma_semaphore, #tpu.memory_space<semaphore_mem>>
    tpu.enqueue_indirect_dma source(%dma_start3A_629 : memref<100000x128xf32, #tpu.memory_space<hbm>>) target(%dma_start3A_623 : memref<72x128xf32, #tpu.memory_space<vmem>>) offsets(%dma_start3A_626 : memref<72xi32, #tpu.memory_space<vmem>>) semaphore(%dma_start3A_631 : memref<!tpu.dma_semaphore, #tpu.memory_space<semaphore_mem>>)
    %scan3A = arith.constant 0 : i32
    %scan3A_632 = arith.constant 2 : i32
    %scan3A_633 = arith.constant 126 : i32
    %scan3A_634 = arith.addi %scan3A_632, %scan3A_633 : i32
    %scan3A_635 = arith.constant 1 : i32
    scf.for %scan3A_707 = %scan3A_632 to %scan3A_634 step %scan3A_635  : i32 {
      %eq3A = arith.constant 62 : i32
      %eq3A_708 = arith.cmpi eq, %scan3A_707, %eq3A : i32
      %convert_element_type3A = arith.extui %eq3A_708 : i1 to i32
      %cond3A = arith.constant 0 : i32
      %cond3A_709 = arith.cmpi ne, %convert_element_type3A, %cond3A : i32
      scf.if %cond3A_709 {
        %add3A_914 = arith.constant 64 : i32
        %add3A_915 = arith.addi %mul3A_2, %add3A_914 : i32
        "tpu.region"() ({
          %run_scoped3A = tpu.sem_alloc : memref<!tpu.dma_semaphore, #tpu.memory_space<semaphore_mem>>
          %dma_start3A_916 = arith.constant 0 : i32
          %dma_start3A_917 = tpu.memref_slice %arg2[%add3A_915, %dma_start3A_916] : memref<4096x200xi32, #tpu.memory_space<hbm>> -> memref<64x200xi32, #tpu.memory_space<hbm>>
          %dma_start3A_918 = arith.constant 0 : i32
          %dma_start3A_919 = tpu.memref_slice %arg2[%add3A_915, %dma_start3A_918] : memref<4096x200xi32, #tpu.memory_space<hbm>> -> memref<64x200xi32, #tpu.memory_space<hbm>>
          tpu.enqueue_dma source(%dma_start3A_919 : memref<64x200xi32, #tpu.memory_space<hbm>>) target(%arg6 : memref<64x200xi32, #tpu.memory_space<vmem>>) target_semaphore(%run_scoped3A : memref<!tpu.dma_semaphore, #tpu.memory_space<semaphore_mem>>)
          %dma_wait3A_920 = arith.constant 0 : i32
          %dma_wait3A_921 = tpu.memref_slice %arg2[%add3A_915, %dma_wait3A_920] : memref<4096x200xi32, #tpu.memory_space<hbm>> -> memref<64x200xi32, #tpu.memory_space<hbm>>
          %dma_wait3A_922 = arith.constant 0 : i32
          %dma_wait3A_923 = tpu.memref_slice %arg2[%add3A_915, %dma_wait3A_922] : memref<4096x200xi32, #tpu.memory_space<hbm>> -> memref<64x200xi32, #tpu.memory_space<hbm>>
          tpu.wait_dma2 semaphore(%run_scoped3A : memref<!tpu.dma_semaphore, #tpu.memory_space<semaphore_mem>>) src(%dma_wait3A_923 : memref<64x200xi32, #tpu.memory_space<hbm>>) dst(%arg6 : memref<64x200xi32, #tpu.memory_space<vmem>>)
          tpu.yield
        }) : () -> ()
      } else {
      }
      %jit3A = arith.constant 3 : i32
      %eq3A_710 = arith.constant 0 : i32
      %eq3A_711 = arith.cmpi eq, %jit3A, %eq3A_710 : i32
      %jit3A_712 = arith.constant 1 : i32
      %select_n3A = arith.select %eq3A_711, %jit3A_712, %jit3A : i32
      %rem3A = arith.remsi %scan3A_707, %select_n3A : i32
      %ne3A = arith.constant 0 : i32
      %ne3A_713 = arith.cmpi ne, %rem3A, %ne3A : i32
      %lt3A = arith.constant 0 : i32
      %lt3A_714 = arith.cmpi slt, %rem3A, %lt3A : i32
      %lt3A_715 = arith.constant 0 : i32
      %lt3A_716 = arith.cmpi slt, %select_n3A, %lt3A_715 : i32
      %ne3A_717 = arith.xori %lt3A_714, %lt3A_716 : i1
      %and3A = arith.andi %ne3A_717, %ne3A_713 : i1
      %add3A_718 = arith.addi %rem3A, %select_n3A : i32
      %select_n3A_719 = arith.select %and3A, %add3A_718, %rem3A : i32
      %mul3A_720 = arith.constant 200 : i32
      %mul3A_721 = arith.muli %select_n3A_719, %mul3A_720 : i32
      %dma_wait3A_722 = arith.constant 0 : i32
      %dma_wait3A_723 = arith.constant 0 : i32
      %dma_wait3A_724 = tpu.memref_slice %arg9[%mul3A_721, %dma_wait3A_723] : memref<600x128xf32, #tpu.memory_space<vmem>> -> memref<128x128xf32, #tpu.memory_space<vmem>>
      %dma_wait3A_725 = arith.constant 0 : i32
      %dma_wait3A_726 = tpu.memref_slice %arg7[%dma_wait3A_722, %dma_wait3A_725] : memref<3x128xi32, #tpu.memory_space<vmem>> -> memref<1x128xi32, #tpu.memory_space<vmem>>
      %dma_wait3A_727 = tpu.memref_squeeze %dma_wait3A_726 : memref<1x128xi32, #tpu.memory_space<vmem>> -> memref<128xi32, #tpu.memory_space<vmem>>
      %dma_wait3A_728 = arith.constant 0 : i32
      %dma_wait3A_729 = arith.constant 0 : i32
      %dma_wait3A_730 = tpu.memref_slice %arg3[%dma_wait3A_728, %dma_wait3A_729] : memref<100000x128xf32, #tpu.memory_space<hbm>> -> memref<100000x128xf32, #tpu.memory_space<hbm>>
      %dma_wait3A_731 = tpu.memref_slice %arg11[%select_n3A_719] : memref<3x!tpu.dma_semaphore, #tpu.memory_space<semaphore_mem>> -> memref<1x!tpu.dma_semaphore, #tpu.memory_space<semaphore_mem>>
      %dma_wait3A_732 = tpu.memref_squeeze %dma_wait3A_731 : memref<1x!tpu.dma_semaphore, #tpu.memory_space<semaphore_mem>> -> memref<!tpu.dma_semaphore, #tpu.memory_space<semaphore_mem>>
      tpu.wait_indirect_dma semaphore(%dma_wait3A_732 : memref<!tpu.dma_semaphore, #tpu.memory_space<semaphore_mem>>) src(%dma_wait3A_730 : memref<100000x128xf32, #tpu.memory_space<hbm>>) dst(%dma_wait3A_724 : memref<128x128xf32, #tpu.memory_space<vmem>>)
      %mul3A_733 = arith.constant 200 : i32
      %mul3A_734 = arith.muli %select_n3A_719, %mul3A_733 : i32
      %add3A_735 = arith.constant 128 : i32
      %add3A_736 = arith.addi %mul3A_734, %add3A_735 : i32
      %dma_wait3A_737 = arith.constant 0 : i32
      %dma_wait3A_738 = arith.constant 0 : i32
      %dma_wait3A_739 = tpu.memref_slice %arg9[%add3A_736, %dma_wait3A_738] : memref<600x128xf32, #tpu.memory_space<vmem>> -> memref<72x128xf32, #tpu.memory_space<vmem>>
      %dma_wait3A_740 = arith.constant 0 : i32
      %dma_wait3A_741 = tpu.memref_slice %arg8[%dma_wait3A_737, %dma_wait3A_740] : memref<3x72xi32, #tpu.memory_space<vmem>> -> memref<1x72xi32, #tpu.memory_space<vmem>>
      %dma_wait3A_742 = tpu.memref_squeeze %dma_wait3A_741 : memref<1x72xi32, #tpu.memory_space<vmem>> -> memref<72xi32, #tpu.memory_space<vmem>>
      %dma_wait3A_743 = arith.constant 0 : i32
      %dma_wait3A_744 = arith.constant 0 : i32
      %dma_wait3A_745 = tpu.memref_slice %arg3[%dma_wait3A_743, %dma_wait3A_744] : memref<100000x128xf32, #tpu.memory_space<hbm>> -> memref<100000x128xf32, #tpu.memory_space<hbm>>
      %dma_wait3A_746 = tpu.memref_slice %arg11[%select_n3A_719] : memref<3x!tpu.dma_semaphore, #tpu.memory_space<semaphore_mem>> -> memref<1x!tpu.dma_semaphore, #tpu.memory_space<semaphore_mem>>
      %dma_wait3A_747 = tpu.memref_squeeze %dma_wait3A_746 : memref<1x!tpu.dma_semaphore, #tpu.memory_space<semaphore_mem>> -> memref<!tpu.dma_semaphore, #tpu.memory_space<semaphore_mem>>
      tpu.wait_indirect_dma semaphore(%dma_wait3A_747 : memref<!tpu.dma_semaphore, #tpu.memory_space<semaphore_mem>>) src(%dma_wait3A_745 : memref<100000x128xf32, #tpu.memory_space<hbm>>) dst(%dma_wait3A_739 : memref<72x128xf32, #tpu.memory_space<vmem>>)
      %mul3A_748 = arith.constant 200 : i32
      %mul3A_749 = arith.muli %select_n3A_719, %mul3A_748 : i32
      %parallel_loop3A_750 = arith.constant 0 : i32
      %parallel_loop3A_751 = arith.constant 200 : i32
      %parallel_loop3A_752 = arith.constant 1 : i32
      scf.for %parallel_loop3A_914 = %parallel_loop3A_750 to %parallel_loop3A_751 step %parallel_loop3A_752  : i32 {
        %parallel_loop3A_915 = arith.addi %mul3A_749, %parallel_loop3A_914 : i32
        %parallel_loop3A_916 = arith.index_cast %parallel_loop3A_915 : i32 to index
        %parallel_loop3A_917 = arith.constant 0 : index
        %parallel_loop3A_918 = tpu.vector_load %arg9[%parallel_loop3A_916, %parallel_loop3A_917] {strides = array<i32>} : memref<600x128xf32, #tpu.memory_space<vmem>>, vector<16xf32>,
        %parallel_loop3A_919 = arith.index_cast %parallel_loop3A_914 : i32 to index
        %parallel_loop3A_920 = arith.constant 0 : index
        %parallel_loop3A_921 = tpu.vector_load %arg10[%parallel_loop3A_919, %parallel_loop3A_920] {strides = array<i32>} : memref<200x64xf32, #tpu.memory_space<vmem>>, vector<16xf32>,
        %parallel_loop3A_922 = arith.addf %parallel_loop3A_918, %parallel_loop3A_921 : vector<16xf32>
        %parallel_loop3A_923 = arith.addi %mul3A_749, %parallel_loop3A_914 : i32
        %parallel_loop3A_924 = arith.index_cast %parallel_loop3A_923 : i32 to index
        %parallel_loop3A_925 = arith.constant 0 : index
        %parallel_loop3A_926 = tpu.vector_load %arg9[%parallel_loop3A_924, %parallel_loop3A_925] {strides = array<i32>} : memref<600x128xf32, #tpu.memory_space<vmem>>, vector<16xf32>,
        tpu.vector_store %arg9[%parallel_loop3A_924, %parallel_loop3A_925], %parallel_loop3A_922 {strides = array<i32>} : memref<600x128xf32, #tpu.memory_space<vmem>>, vector<16xf32>,
        %parallel_loop3A_927 = arith.addi %mul3A_749, %parallel_loop3A_914 : i32
        %parallel_loop3A_928 = arith.index_cast %parallel_loop3A_927 : i32 to index
        %parallel_loop3A_929 = arith.constant 16 : index
        %parallel_loop3A_930 = tpu.vector_load %arg9[%parallel_loop3A_928, %parallel_loop3A_929] {strides = array<i32>} : memref<600x128xf32, #tpu.memory_space<vmem>>, vector<16xf32>,
        %parallel_loop3A_931 = arith.index_cast %parallel_loop3A_914 : i32 to index
        %parallel_loop3A_932 = arith.constant 16 : index
        %parallel_loop3A_933 = tpu.vector_load %arg10[%parallel_loop3A_931, %parallel_loop3A_932] {strides = array<i32>} : memref<200x64xf32, #tpu.memory_space<vmem>>, vector<16xf32>,
        %parallel_loop3A_934 = arith.addf %parallel_loop3A_930, %parallel_loop3A_933 : vector<16xf32>
        %parallel_loop3A_935 = arith.addi %mul3A_749, %parallel_loop3A_914 : i32
        %parallel_loop3A_936 = arith.index_cast %parallel_loop3A_935 : i32 to index
        %parallel_loop3A_937 = arith.constant 16 : index
        %parallel_loop3A_938 = tpu.vector_load %arg9[%parallel_loop3A_936, %parallel_loop3A_937] {strides = array<i32>} : memref<600x128xf32, #tpu.memory_space<vmem>>, vector<16xf32>,
        tpu.vector_store %arg9[%parallel_loop3A_936, %parallel_loop3A_937], %parallel_loop3A_934 {strides = array<i32>} : memref<600x128xf32, #tpu.memory_space<vmem>>, vector<16xf32>,
        %parallel_loop3A_939 = arith.addi %mul3A_749, %parallel_loop3A_914 : i32
        %parallel_loop3A_940 = arith.index_cast %parallel_loop3A_939 : i32 to index
        %parallel_loop3A_941 = arith.constant 32 : index
        %parallel_loop3A_942 = tpu.vector_load %arg9[%parallel_loop3A_940, %parallel_loop3A_941] {strides = array<i32>} : memref<600x128xf32, #tpu.memory_space<vmem>>, vector<16xf32>,
        %parallel_loop3A_943 = arith.index_cast %parallel_loop3A_914 : i32 to index
        %parallel_loop3A_944 = arith.constant 32 : index
        %parallel_loop3A_945 = tpu.vector_load %arg10[%parallel_loop3A_943, %parallel_loop3A_944] {strides = array<i32>} : memref<200x64xf32, #tpu.memory_space<vmem>>, vector<16xf32>,
        %parallel_loop3A_946 = arith.addf %parallel_loop3A_942, %parallel_loop3A_945 : vector<16xf32>
        %parallel_loop3A_947 = arith.addi %mul3A_749, %parallel_loop3A_914 : i32
        %parallel_loop3A_948 = arith.index_cast %parallel_loop3A_947 : i32 to index
        %parallel_loop3A_949 = arith.constant 32 : index
        %parallel_loop3A_950 = tpu.vector_load %arg9[%parallel_loop3A_948, %parallel_loop3A_949] {strides = array<i32>} : memref<600x128xf32, #tpu.memory_space<vmem>>, vector<16xf32>,
        tpu.vector_store %arg9[%parallel_loop3A_948, %parallel_loop3A_949], %parallel_loop3A_946 {strides = array<i32>} : memref<600x128xf32, #tpu.memory_space<vmem>>, vector<16xf32>,
        %parallel_loop3A_951 = arith.addi %mul3A_749, %parallel_loop3A_914 : i32
        %parallel_loop3A_952 = arith.index_cast %parallel_loop3A_951 : i32 to index
        %parallel_loop3A_953 = arith.constant 48 : index
        %parallel_loop3A_954 = tpu.vector_load %arg9[%parallel_loop3A_952, %parallel_loop3A_953] {strides = array<i32>} : memref<600x128xf32, #tpu.memory_space<vmem>>, vector<16xf32>,
        %parallel_loop3A_955 = arith.index_cast %parallel_loop3A_914 : i32 to index
        %parallel_loop3A_956 = arith.constant 48 : index
        %parallel_loop3A_957 = tpu.vector_load %arg10[%parallel_loop3A_955, %parallel_loop3A_956] {strides = array<i32>} : memref<200x64xf32, #tpu.memory_space<vmem>>, vector<16xf32>,
        %parallel_loop3A_958 = arith.addf %parallel_loop3A_954, %parallel_loop3A_957 : vector<16xf32>
        %parallel_loop3A_959 = arith.addi %mul3A_749, %parallel_loop3A_914 : i32
        %parallel_loop3A_960 = arith.index_cast %parallel_loop3A_959 : i32 to index
        %parallel_loop3A_961 = arith.constant 48 : index
        %parallel_loop3A_962 = tpu.vector_load %arg9[%parallel_loop3A_960, %parallel_loop3A_961] {strides = array<i32>} : memref<600x128xf32, #tpu.memory_space<vmem>>, vector<16xf32>,
        tpu.vector_store %arg9[%parallel_loop3A_960, %parallel_loop3A_961], %parallel_loop3A_958 {strides = array<i32>} : memref<600x128xf32, #tpu.memory_space<vmem>>, vector<16xf32>,
      } {sc.loop_unroll_factor = 8 : i64, sc.parallel_access}
      %mul3A_753 = arith.constant 200 : i32
      %mul3A_754 = arith.muli %select_n3A_719, %mul3A_753 : i32
      %add3A_755 = arith.addi %mul3A_2, %scan3A_707 : i32
      %dma_start3A_756 = arith.constant 0 : i32
      %dma_start3A_757 = tpu.memref_slice %arg9[%mul3A_754, %dma_start3A_756] : memref<600x128xf32, #tpu.memory_space<vmem>> -> memref<200x128xf32, #tpu.memory_space<vmem>>
      %dma_start3A_758 = arith.constant 0 : i32
      %dma_start3A_759 = arith.constant 0 : i32
      %dma_start3A_760 = tpu.memref_slice %arg5[%add3A_755, %dma_start3A_758, %dma_start3A_759] : memref<4096x200x128xf32, #tpu.memory_space<hbm>> -> memref<1x200x128xf32, #tpu.memory_space<hbm>>
      %dma_start3A_761 = tpu.memref_squeeze %dma_start3A_760 : memref<1x200x128xf32, #tpu.memory_space<hbm>> -> memref<200x128xf32, #tpu.memory_space<hbm>>
      %dma_start3A_762 = tpu.memref_slice %arg12[%select_n3A_719] : memref<3x!tpu.dma_semaphore, #tpu.memory_space<semaphore_mem>> -> memref<1x!tpu.dma_semaphore, #tpu.memory_space<semaphore_mem>>
      %dma_start3A_763 = tpu.memref_squeeze %dma_start3A_762 : memref<1x!tpu.dma_semaphore, #tpu.memory_space<semaphore_mem>> -> memref<!tpu.dma_semaphore, #tpu.memory_space<semaphore_mem>>
      %dma_start3A_764 = arith.constant 0 : i32
      %dma_start3A_765 = arith.constant 0 : i32
      %dma_start3A_766 = tpu.memref_slice %arg5[%add3A_755, %dma_start3A_764, %dma_start3A_765] : memref<4096x200x128xf32, #tpu.memory_space<hbm>> -> memref<1x200x128xf32, #tpu.memory_space<hbm>>
      %dma_start3A_767 = tpu.memref_squeeze %dma_start3A_766 : memref<1x200x128xf32, #tpu.memory_space<hbm>> -> memref<200x128xf32, #tpu.memory_space<hbm>>
      %dma_start3A_768 = arith.constant 0 : i32
      %dma_start3A_769 = tpu.memref_slice %arg9[%mul3A_754, %dma_start3A_768] : memref<600x128xf32, #tpu.memory_space<vmem>> -> memref<200x128xf32, #tpu.memory_space<vmem>>
      tpu.enqueue_dma source(%dma_start3A_769 : memref<200x128xf32, #tpu.memory_space<vmem>>) target(%dma_start3A_767 : memref<200x128xf32, #tpu.memory_space<hbm>>) target_semaphore(%dma_start3A_763 : memref<!tpu.dma_semaphore, #tpu.memory_space<semaphore_mem>>)
      %add3A_770 = arith.constant 2 : i32
      %add3A_771 = arith.addi %scan3A_707, %add3A_770 : i32
      %jit3A_772 = arith.constant 3 : i32
      %eq3A_773 = arith.constant 0 : i32
      %eq3A_774 = arith.cmpi eq, %jit3A_772, %eq3A_773 : i32
      %jit3A_775 = arith.constant 1 : i32
      %select_n3A_776 = arith.select %eq3A_774, %jit3A_775, %jit3A_772 : i32
      %rem3A_777 = arith.remsi %add3A_771, %select_n3A_776 : i32
      %ne3A_778 = arith.constant 0 : i32
      %ne3A_779 = arith.cmpi ne, %rem3A_777, %ne3A_778 : i32
      %lt3A_780 = arith.constant 0 : i32
      %lt3A_781 = arith.cmpi slt, %rem3A_777, %lt3A_780 : i32
      %lt3A_782 = arith.constant 0 : i32
      %lt3A_783 = arith.cmpi slt, %select_n3A_776, %lt3A_782 : i32
      %ne3A_784 = arith.xori %lt3A_781, %lt3A_783 : i1
      %and3A_785 = arith.andi %ne3A_784, %ne3A_779 : i1
      %add3A_786 = arith.addi %rem3A_777, %select_n3A_776 : i32
      %select_n3A_787 = arith.select %and3A_785, %add3A_786, %rem3A_777 : i32
      %mul3A_788 = arith.constant 200 : i32
      %mul3A_789 = arith.muli %select_n3A_787, %mul3A_788 : i32
      %dma_wait3A_790 = arith.constant 0 : i32
      %dma_wait3A_791 = arith.constant 0 : i32
      %dma_wait3A_792 = tpu.memref_slice %arg9[%mul3A_789, %dma_wait3A_791] : memref<600x128xf32, #tpu.memory_space<vmem>> -> memref<200x128xf32, #tpu.memory_space<vmem>>
      %dma_wait3A_793 = arith.constant 0 : i32
      %dma_wait3A_794 = arith.constant 0 : i32
      %dma_wait3A_795 = tpu.memref_slice %arg5[%dma_wait3A_790, %dma_wait3A_793, %dma_wait3A_794] : memref<4096x200x128xf32, #tpu.memory_space<hbm>> -> memref<1x200x128xf32, #tpu.memory_space<hbm>>
      %dma_wait3A_796 = tpu.memref_squeeze %dma_wait3A_795 : memref<1x200x128xf32, #tpu.memory_space<hbm>> -> memref<200x128xf32, #tpu.memory_space<hbm>>
      %dma_wait3A_797 = tpu.memref_slice %arg12[%select_n3A_787] : memref<3x!tpu.dma_semaphore, #tpu.memory_space<semaphore_mem>> -> memref<1x!tpu.dma_semaphore, #tpu.memory_space<semaphore_mem>>
      %dma_wait3A_798 = tpu.memref_squeeze %dma_wait3A_797 : memref<1x!tpu.dma_semaphore, #tpu.memory_space<semaphore_mem>> -> memref<!tpu.dma_semaphore, #tpu.memory_space<semaphore_mem>>
      %dma_wait3A_799 = arith.constant 0 : i32
      %dma_wait3A_800 = arith.constant 0 : i32
      %dma_wait3A_801 = tpu.memref_slice %arg5[%dma_wait3A_790, %dma_wait3A_799, %dma_wait3A_800] : memref<4096x200x128xf32, #tpu.memory_space<hbm>> -> memref<1x200x128xf32, #tpu.memory_space<hbm>>
      %dma_wait3A_802 = tpu.memref_squeeze %dma_wait3A_801 : memref<1x200x128xf32, #tpu.memory_space<hbm>> -> memref<200x128xf32, #tpu.memory_space<hbm>>
      %dma_wait3A_803 = arith.constant 0 : i32
      %dma_wait3A_804 = tpu.memref_slice %arg9[%mul3A_789, %dma_wait3A_803] : memref<600x128xf32, #tpu.memory_space<vmem>> -> memref<200x128xf32, #tpu.memory_space<vmem>>
      tpu.wait_dma2 semaphore(%dma_wait3A_798 : memref<!tpu.dma_semaphore, #tpu.memory_space<semaphore_mem>>) src(%dma_wait3A_804 : memref<200x128xf32, #tpu.memory_space<vmem>>) dst(%dma_wait3A_802 : memref<200x128xf32, #tpu.memory_space<hbm>>)
      %add3A_805 = arith.constant 2 : i32
      %add3A_806 = arith.addi %scan3A_707, %add3A_805 : i32
      %min3A = arith.constant 127 : i32
      %min3A_807 = arith.minsi %add3A_806, %min3A : i32
      %and3A_808 = arith.constant 63 : i32
      %and3A_809 = arith.andi %min3A_807, %and3A_808 : i32
      %get3A_810 = arith.index_cast %and3A_809 : i32 to index
      %get3A_811 = arith.constant 0 : index
      %get3A_812 = tpu.vector_load %arg6[%get3A_810, %get3A_811] {strides = array<i32>} : memref<64x200xi32, #tpu.memory_space<vmem>>, vector<16xi32>,
      %swap3A_813 = arith.index_cast %select_n3A_787 : i32 to index
      %swap3A_814 = arith.constant 0 : index
      %swap3A_815 = tpu.vector_load %arg7[%swap3A_813, %swap3A_814] {strides = array<i32>} : memref<3x128xi32, #tpu.memory_space<vmem>>, vector<16xi32>,
      tpu.vector_store %arg7[%swap3A_813, %swap3A_814], %get3A_812 {strides = array<i32>} : memref<3x128xi32, #tpu.memory_space<vmem>>, vector<16xi32>,
      %get3A_816 = arith.index_cast %and3A_809 : i32 to index
      %get3A_817 = arith.constant 16 : index
      %get3A_818 = tpu.vector_load %arg6[%get3A_816, %get3A_817] {strides = array<i32>} : memref<64x200xi32, #tpu.memory_space<vmem>>, vector<16xi32>,
      %swap3A_819 = arith.index_cast %select_n3A_787 : i32 to index
      %swap3A_820 = arith.constant 16 : index
      %swap3A_821 = tpu.vector_load %arg7[%swap3A_819, %swap3A_820] {strides = array<i32>} : memref<3x128xi32, #tpu.memory_space<vmem>>, vector<16xi32>,
      tpu.vector_store %arg7[%swap3A_819, %swap3A_820], %get3A_818 {strides = array<i32>} : memref<3x128xi32, #tpu.memory_space<vmem>>, vector<16xi32>,
      %get3A_822 = arith.index_cast %and3A_809 : i32 to index
      %get3A_823 = arith.constant 32 : index
      %get3A_824 = tpu.vector_load %arg6[%get3A_822, %get3A_823] {strides = array<i32>} : memref<64x200xi32, #tpu.memory_space<vmem>>, vector<16xi32>,
      %swap3A_825 = arith.index_cast %select_n3A_787 : i32 to index
      %swap3A_826 = arith.constant 32 : index
      %swap3A_827 = tpu.vector_load %arg7[%swap3A_825, %swap3A_826] {strides = array<i32>} : memref<3x128xi32, #tpu.memory_space<vmem>>, vector<16xi32>,
      tpu.vector_store %arg7[%swap3A_825, %swap3A_826], %get3A_824 {strides = array<i32>} : memref<3x128xi32, #tpu.memory_space<vmem>>, vector<16xi32>,
      %get3A_828 = arith.index_cast %and3A_809 : i32 to index
      %get3A_829 = arith.constant 48 : index
      %get3A_830 = tpu.vector_load %arg6[%get3A_828, %get3A_829] {strides = array<i32>} : memref<64x200xi32, #tpu.memory_space<vmem>>, vector<16xi32>,
      %swap3A_831 = arith.index_cast %select_n3A_787 : i32 to index
      %swap3A_832 = arith.constant 48 : index
      %swap3A_833 = tpu.vector_load %arg7[%swap3A_831, %swap3A_832] {strides = array<i32>} : memref<3x128xi32, #tpu.memory_space<vmem>>, vector<16xi32>,
      tpu.vector_store %arg7[%swap3A_831, %swap3A_832], %get3A_830 {strides = array<i32>} : memref<3x128xi32, #tpu.memory_space<vmem>>, vector<16xi32>,
      %get3A_834 = arith.index_cast %and3A_809 : i32 to index
      %get3A_835 = arith.constant 64 : index
      %get3A_836 = tpu.vector_load %arg6[%get3A_834, %get3A_835] {strides = array<i32>} : memref<64x200xi32, #tpu.memory_space<vmem>>, vector<16xi32>,
      %swap3A_837 = arith.index_cast %select_n3A_787 : i32 to index
      %swap3A_838 = arith.constant 64 : index
      %swap3A_839 = tpu.vector_load %arg7[%swap3A_837, %swap3A_838] {strides = array<i32>} : memref<3x128xi32, #tpu.memory_space<vmem>>, vector<16xi32>,
      tpu.vector_store %arg7[%swap3A_837, %swap3A_838], %get3A_836 {strides = array<i32>} : memref<3x128xi32, #tpu.memory_space<vmem>>, vector<16xi32>,
      %get3A_840 = arith.index_cast %and3A_809 : i32 to index
      %get3A_841 = arith.constant 80 : index
      %get3A_842 = tpu.vector_load %arg6[%get3A_840, %get3A_841] {strides = array<i32>} : memref<64x200xi32, #tpu.memory_space<vmem>>, vector<16xi32>,
      %swap3A_843 = arith.index_cast %select_n3A_787 : i32 to index
      %swap3A_844 = arith.constant 80 : index
      %swap3A_845 = tpu.vector_load %arg7[%swap3A_843, %swap3A_844] {strides = array<i32>} : memref<3x128xi32, #tpu.memory_space<vmem>>, vector<16xi32>,
      tpu.vector_store %arg7[%swap3A_843, %swap3A_844], %get3A_842 {strides = array<i32>} : memref<3x128xi32, #tpu.memory_space<vmem>>, vector<16xi32>,
      %get3A_846 = arith.index_cast %and3A_809 : i32 to index
      %get3A_847 = arith.constant 96 : index
      %get3A_848 = tpu.vector_load %arg6[%get3A_846, %get3A_847] {strides = array<i32>} : memref<64x200xi32, #tpu.memory_space<vmem>>, vector<16xi32>,
      %swap3A_849 = arith.index_cast %select_n3A_787 : i32 to index
      %swap3A_850 = arith.constant 96 : index
      %swap3A_851 = tpu.vector_load %arg7[%swap3A_849, %swap3A_850] {strides = array<i32>} : memref<3x128xi32, #tpu.memory_space<vmem>>, vector<16xi32>,
      tpu.vector_store %arg7[%swap3A_849, %swap3A_850], %get3A_848 {strides = array<i32>} : memref<3x128xi32, #tpu.memory_space<vmem>>, vector<16xi32>,
      %get3A_852 = arith.index_cast %and3A_809 : i32 to index
      %get3A_853 = arith.constant 112 : index
      %get3A_854 = tpu.vector_load %arg6[%get3A_852, %get3A_853] {strides = array<i32>} : memref<64x200xi32, #tpu.memory_space<vmem>>, vector<16xi32>,
      %swap3A_855 = arith.index_cast %select_n3A_787 : i32 to index
      %swap3A_856 = arith.constant 112 : index
      %swap3A_857 = tpu.vector_load %arg7[%swap3A_855, %swap3A_856] {strides = array<i32>} : memref<3x128xi32, #tpu.memory_space<vmem>>, vector<16xi32>,
      tpu.vector_store %arg7[%swap3A_855, %swap3A_856], %get3A_854 {strides = array<i32>} : memref<3x128xi32, #tpu.memory_space<vmem>>, vector<16xi32>,
      %get3A_858 = arith.index_cast %and3A_809 : i32 to index
      %get3A_859 = arith.constant 128 : index
      %get3A_860 = tpu.vector_load %arg6[%get3A_858, %get3A_859] {strides = array<i32>} : memref<64x200xi32, #tpu.memory_space<vmem>>, vector<16xi32>,
      %swap3A_861 = arith.index_cast %select_n3A_787 : i32 to index
      %swap3A_862 = arith.constant 0 : index
      %swap3A_863 = tpu.vector_load %arg8[%swap3A_861, %swap3A_862] {strides = array<i32>} : memref<3x72xi32, #tpu.memory_space<vmem>>, vector<16xi32>,
      tpu.vector_store %arg8[%swap3A_861, %swap3A_862], %get3A_860 {strides = array<i32>} : memref<3x72xi32, #tpu.memory_space<vmem>>, vector<16xi32>,
      %get3A_864 = arith.index_cast %and3A_809 : i32 to index
      %get3A_865 = arith.constant 144 : index
      %get3A_866 = tpu.vector_load %arg6[%get3A_864, %get3A_865] {strides = array<i32>} : memref<64x200xi32, #tpu.memory_space<vmem>>, vector<16xi32>,
      %swap3A_867 = arith.index_cast %select_n3A_787 : i32 to index
      %swap3A_868 = arith.constant 16 : index
      %swap3A_869 = tpu.vector_load %arg8[%swap3A_867, %swap3A_868] {strides = array<i32>} : memref<3x72xi32, #tpu.memory_space<vmem>>, vector<16xi32>,
      tpu.vector_store %arg8[%swap3A_867, %swap3A_868], %get3A_866 {strides = array<i32>} : memref<3x72xi32, #tpu.memory_space<vmem>>, vector<16xi32>,
      %get3A_870 = arith.index_cast %and3A_809 : i32 to index
      %get3A_871 = arith.constant 160 : index
      %get3A_872 = tpu.vector_load %arg6[%get3A_870, %get3A_871] {strides = array<i32>} : memref<64x200xi32, #tpu.memory_space<vmem>>, vector<16xi32>,
      %swap3A_873 = arith.index_cast %select_n3A_787 : i32 to index
      %swap3A_874 = arith.constant 32 : index
      %swap3A_875 = tpu.vector_load %arg8[%swap3A_873, %swap3A_874] {strides = array<i32>} : memref<3x72xi32, #tpu.memory_space<vmem>>, vector<16xi32>,
      tpu.vector_store %arg8[%swap3A_873, %swap3A_874], %get3A_872 {strides = array<i32>} : memref<3x72xi32, #tpu.memory_space<vmem>>, vector<16xi32>,
      %get3A_876 = arith.index_cast %and3A_809 : i32 to index
      %get3A_877 = arith.constant 176 : index
      %get3A_878 = tpu.vector_load %arg6[%get3A_876, %get3A_877] {strides = array<i32>} : memref<64x200xi32, #tpu.memory_space<vmem>>, vector<16xi32>,
      %swap3A_879 = arith.index_cast %select_n3A_787 : i32 to index
      %swap3A_880 = arith.constant 48 : index
      %swap3A_881 = tpu.vector_load %arg8[%swap3A_879, %swap3A_880] {strides = array<i32>} : memref<3x72xi32, #tpu.memory_space<vmem>>, vector<16xi32>,
      tpu.vector_store %arg8[%swap3A_879, %swap3A_880], %get3A_878 {strides = array<i32>} : memref<3x72xi32, #tpu.memory_space<vmem>>, vector<16xi32>,
      %get3A_882 = arith.index_cast %and3A_809 : i32 to index
      %get3A_883 = arith.constant 184 : index
      %get3A_884 = tpu.vector_load %arg6[%get3A_882, %get3A_883] {strides = array<i32>} : memref<64x200xi32, #tpu.memory_space<vmem>>, vector<16xi32>,
      %swap3A_885 = arith.index_cast %select_n3A_787 : i32 to index
      %swap3A_886 = arith.constant 56 : index
      %swap3A_887 = tpu.vector_load %arg8[%swap3A_885, %swap3A_886] {strides = array<i32>} : memref<3x72xi32, #tpu.memory_space<vmem>>, vector<16xi32>,
      tpu.vector_store %arg8[%swap3A_885, %swap3A_886], %get3A_884 {strides = array<i32>} : memref<3x72xi32, #tpu.memory_space<vmem>>, vector<16xi32>,
      %mul3A_888 = arith.constant 200 : i32
      %mul3A_889 = arith.muli %select_n3A_787, %mul3A_888 : i32
      %dma_start3A_890 = arith.constant 0 : i32
      %dma_start3A_891 = tpu.memref_slice %arg9[%mul3A_889, %dma_start3A_890] : memref<600x128xf32, #tpu.memory_space<vmem>> -> memref<128x128xf32, #tpu.memory_space<vmem>>
      %dma_start3A_892 = arith.constant 0 : i32
      %dma_start3A_893 = tpu.memref_slice %arg7[%select_n3A_787, %dma_start3A_892] : memref<3x128xi32, #tpu.memory_space<vmem>> -> memref<1x128xi32, #tpu.memory_space<vmem>>
      %dma_start3A_894 = tpu.memref_squeeze %dma_start3A_893 : memref<1x128xi32, #tpu.memory_space<vmem>> -> memref<128xi32, #tpu.memory_space<vmem>>
      %dma_start3A_895 = arith.constant 0 : i32
      %dma_start3A_896 = arith.constant 0 : i32
      %dma_start3A_897 = tpu.memref_slice %arg3[%dma_start3A_895, %dma_start3A_896] : memref<100000x128xf32, #tpu.memory_space<hbm>> -> memref<100000x128xf32, #tpu.memory_space<hbm>>
      %dma_start3A_898 = tpu.memref_slice %arg11[%select_n3A_787] : memref<3x!tpu.dma_semaphore, #tpu.memory_space<semaphore_mem>> -> memref<1x!tpu.dma_semaphore, #tpu.memory_space<semaphore_mem>>
      %dma_start3A_899 = tpu.memref_squeeze %dma_start3A_898 : memref<1x!tpu.dma_semaphore, #tpu.memory_space<semaphore_mem>> -> memref<!tpu.dma_semaphore, #tpu.memory_space<semaphore_mem>>
      tpu.enqueue_indirect_dma source(%dma_start3A_897 : memref<100000x128xf32, #tpu.memory_space<hbm>>) target(%dma_start3A_891 : memref<128x128xf32, #tpu.memory_space<vmem>>) offsets(%dma_start3A_894 : memref<128xi32, #tpu.memory_space<vmem>>) semaphore(%dma_start3A_899 : memref<!tpu.dma_semaphore, #tpu.memory_space<semaphore_mem>>)
      %mul3A_900 = arith.constant 200 : i32
      %mul3A_901 = arith.muli %select_n3A_787, %mul3A_900 : i32
      %add3A_902 = arith.constant 128 : i32
      %add3A_903 = arith.addi %mul3A_901, %add3A_902 : i32
      %dma_start3A_904 = arith.constant 0 : i32
      %dma_start3A_905 = tpu.memref_slice %arg9[%add3A_903, %dma_start3A_904] : memref<600x128xf32, #tpu.memory_space<vmem>> -> memref<72x128xf32, #tpu.memory_space<vmem>>
      %dma_start3A_906 = arith.constant 0 : i32
      %dma_start3A_907 = tpu.memref_slice %arg8[%select_n3A_787, %dma_start3A_906] : memref<3x72xi32, #tpu.memory_space<vmem>> -> memref<1x72xi32, #tpu.memory_space<vmem>>
      %dma_start3A_908 = tpu.memref_squeeze %dma_start3A_907 : memref<1x72xi32, #tpu.memory_space<vmem>> -> memref<72xi32, #tpu.memory_space<vmem>>
      %dma_start3A_909 = arith.constant 0 : i32
      %dma_start3A_910 = arith.constant 0 : i32
      %dma_start3A_911 = tpu.memref_slice %arg3[%dma_start3A_909, %dma_start3A_910] : memref<100000x128xf32, #tpu.memory_space<hbm>> -> memref<100000x128xf32, #tpu.memory_space<hbm>>
      %dma_start3A_912 = tpu.memref_slice %arg11[%select_n3A_787] : memref<3x!tpu.dma_semaphore, #tpu.memory_space<semaphore_mem>> -> memref<1x!tpu.dma_semaphore, #tpu.memory_space<semaphore_mem>>
      %dma_start3A_913 = tpu.memref_squeeze %dma_start3A_912 : memref<1x!tpu.dma_semaphore, #tpu.memory_space<semaphore_mem>> -> memref<!tpu.dma_semaphore, #tpu.memory_space<semaphore_mem>>
      tpu.enqueue_indirect_dma source(%dma_start3A_911 : memref<100000x128xf32, #tpu.memory_space<hbm>>) target(%dma_start3A_905 : memref<72x128xf32, #tpu.memory_space<vmem>>) offsets(%dma_start3A_908 : memref<72xi32, #tpu.memory_space<vmem>>) semaphore(%dma_start3A_913 : memref<!tpu.dma_semaphore, #tpu.memory_space<semaphore_mem>>)
    }
    %scan3A_636 = arith.constant 126 : i32
    %dma_wait3A_637 = arith.constant 0 : i32
    %dma_wait3A_638 = arith.constant 2 : i32
    %dma_wait3A_639 = arith.constant 400 : i32
    %dma_wait3A_640 = arith.constant 0 : i32
    %dma_wait3A_641 = tpu.memref_slice %arg9[%dma_wait3A_639, %dma_wait3A_640] : memref<600x128xf32, #tpu.memory_space<vmem>> -> memref<128x128xf32, #tpu.memory_space<vmem>>
    %dma_wait3A_642 = arith.constant 0 : i32
    %dma_wait3A_643 = tpu.memref_slice %arg7[%dma_wait3A_637, %dma_wait3A_642] : memref<3x128xi32, #tpu.memory_space<vmem>> -> memref<1x128xi32, #tpu.memory_space<vmem>>
    %dma_wait3A_644 = tpu.memref_squeeze %dma_wait3A_643 : memref<1x128xi32, #tpu.memory_space<vmem>> -> memref<128xi32, #tpu.memory_space<vmem>>
    %dma_wait3A_645 = arith.constant 0 : i32
    %dma_wait3A_646 = arith.constant 0 : i32
    %dma_wait3A_647 = tpu.memref_slice %arg3[%dma_wait3A_645, %dma_wait3A_646] : memref<100000x128xf32, #tpu.memory_space<hbm>> -> memref<100000x128xf32, #tpu.memory_space<hbm>>
    %dma_wait3A_648 = tpu.memref_slice %arg11[%dma_wait3A_638] : memref<3x!tpu.dma_semaphore, #tpu.memory_space<semaphore_mem>> -> memref<1x!tpu.dma_semaphore, #tpu.memory_space<semaphore_mem>>
    %dma_wait3A_649 = tpu.memref_squeeze %dma_wait3A_648 : memref<1x!tpu.dma_semaphore, #tpu.memory_space<semaphore_mem>> -> memref<!tpu.dma_semaphore, #tpu.memory_space<semaphore_mem>>
    tpu.wait_indirect_dma semaphore(%dma_wait3A_649 : memref<!tpu.dma_semaphore, #tpu.memory_space<semaphore_mem>>) src(%dma_wait3A_647 : memref<100000x128xf32, #tpu.memory_space<hbm>>) dst(%dma_wait3A_641 : memref<128x128xf32, #tpu.memory_space<vmem>>)
    %dma_wait3A_650 = arith.constant 0 : i32
    %dma_wait3A_651 = arith.constant 2 : i32
    %dma_wait3A_652 = arith.constant 528 : i32
    %dma_wait3A_653 = arith.constant 0 : i32
    %dma_wait3A_654 = tpu.memref_slice %arg9[%dma_wait3A_652, %dma_wait3A_653] : memref<600x128xf32, #tpu.memory_space<vmem>> -> memref<72x128xf32, #tpu.memory_space<vmem>>
    %dma_wait3A_655 = arith.constant 0 : i32
    %dma_wait3A_656 = tpu.memref_slice %arg8[%dma_wait3A_650, %dma_wait3A_655] : memref<3x72xi32, #tpu.memory_space<vmem>> -> memref<1x72xi32, #tpu.memory_space<vmem>>
    %dma_wait3A_657 = tpu.memref_squeeze %dma_wait3A_656 : memref<1x72xi32, #tpu.memory_space<vmem>> -> memref<72xi32, #tpu.memory_space<vmem>>
    %dma_wait3A_658 = arith.constant 0 : i32
    %dma_wait3A_659 = arith.constant 0 : i32
    %dma_wait3A_660 = tpu.memref_slice %arg3[%dma_wait3A_658, %dma_wait3A_659] : memref<100000x128xf32, #tpu.memory_space<hbm>> -> memref<100000x128xf32, #tpu.memory_space<hbm>>
    %dma_wait3A_661 = tpu.memref_slice %arg11[%dma_wait3A_651] : memref<3x!tpu.dma_semaphore, #tpu.memory_space<semaphore_mem>> -> memref<1x!tpu.dma_semaphore, #tpu.memory_space<semaphore_mem>>
    %dma_wait3A_662 = tpu.memref_squeeze %dma_wait3A_661 : memref<1x!tpu.dma_semaphore, #tpu.memory_space<semaphore_mem>> -> memref<!tpu.dma_semaphore, #tpu.memory_space<semaphore_mem>>
    tpu.wait_indirect_dma semaphore(%dma_wait3A_662 : memref<!tpu.dma_semaphore, #tpu.memory_space<semaphore_mem>>) src(%dma_wait3A_660 : memref<100000x128xf32, #tpu.memory_space<hbm>>) dst(%dma_wait3A_654 : memref<72x128xf32, #tpu.memory_space<vmem>>)
    %dma_wait3A_663 = arith.constant 0 : i32
    %dma_wait3A_664 = arith.constant 0 : i32
    %dma_wait3A_665 = arith.constant 0 : i32
    %dma_wait3A_666 = arith.constant 0 : i32
    %dma_wait3A_667 = tpu.memref_slice %arg9[%dma_wait3A_665, %dma_wait3A_666] : memref<600x128xf32, #tpu.memory_space<vmem>> -> memref<128x128xf32, #tpu.memory_space<vmem>>
    %dma_wait3A_668 = arith.constant 0 : i32
    %dma_wait3A_669 = tpu.memref_slice %arg7[%dma_wait3A_663, %dma_wait3A_668] : memref<3x128xi32, #tpu.memory_space<vmem>> -> memref<1x128xi32, #tpu.memory_space<vmem>>
    %dma_wait3A_670 = tpu.memref_squeeze %dma_wait3A_669 : memref<1x128xi32, #tpu.memory_space<vmem>> -> memref<128xi32, #tpu.memory_space<vmem>>
    %dma_wait3A_671 = arith.constant 0 : i32
    %dma_wait3A_672 = arith.constant 0 : i32
    %dma_wait3A_673 = tpu.memref_slice %arg3[%dma_wait3A_671, %dma_wait3A_672] : memref<100000x128xf32, #tpu.memory_space<hbm>> -> memref<100000x128xf32, #tpu.memory_space<hbm>>
    %dma_wait3A_674 = tpu.memref_slice %arg11[%dma_wait3A_664] : memref<3x!tpu.dma_semaphore, #tpu.memory_space<semaphore_mem>> -> memref<1x!tpu.dma_semaphore, #tpu.memory_space<semaphore_mem>>
    %dma_wait3A_675 = tpu.memref_squeeze %dma_wait3A_674 : memref<1x!tpu.dma_semaphore, #tpu.memory_space<semaphore_mem>> -> memref<!tpu.dma_semaphore, #tpu.memory_space<semaphore_mem>>
    tpu.wait_indirect_dma semaphore(%dma_wait3A_675 : memref<!tpu.dma_semaphore, #tpu.memory_space<semaphore_mem>>) src(%dma_wait3A_673 : memref<100000x128xf32, #tpu.memory_space<hbm>>) dst(%dma_wait3A_667 : memref<128x128xf32, #tpu.memory_space<vmem>>)
    %dma_wait3A_676 = arith.constant 0 : i32
    %dma_wait3A_677 = arith.constant 0 : i32
    %dma_wait3A_678 = arith.constant 128 : i32
    %dma_wait3A_679 = arith.constant 0 : i32
    %dma_wait3A_680 = tpu.memref_slice %arg9[%dma_wait3A_678, %dma_wait3A_679] : memref<600x128xf32, #tpu.memory_space<vmem>> -> memref<72x128xf32, #tpu.memory_space<vmem>>
    %dma_wait3A_681 = arith.constant 0 : i32
    %dma_wait3A_682 = tpu.memref_slice %arg8[%dma_wait3A_676, %dma_wait3A_681] : memref<3x72xi32, #tpu.memory_space<vmem>> -> memref<1x72xi32, #tpu.memory_space<vmem>>
    %dma_wait3A_683 = tpu.memref_squeeze %dma_wait3A_682 : memref<1x72xi32, #tpu.memory_space<vmem>> -> memref<72xi32, #tpu.memory_space<vmem>>
    %dma_wait3A_684 = arith.constant 0 : i32
    %dma_wait3A_685 = arith.constant 0 : i32
    %dma_wait3A_686 = tpu.memref_slice %arg3[%dma_wait3A_684, %dma_wait3A_685] : memref<100000x128xf32, #tpu.memory_space<hbm>> -> memref<100000x128xf32, #tpu.memory_space<hbm>>
    %dma_wait3A_687 = tpu.memref_slice %arg11[%dma_wait3A_677] : memref<3x!tpu.dma_semaphore, #tpu.memory_space<semaphore_mem>> -> memref<1x!tpu.dma_semaphore, #tpu.memory_space<semaphore_mem>>
    %dma_wait3A_688 = tpu.memref_squeeze %dma_wait3A_687 : memref<1x!tpu.dma_semaphore, #tpu.memory_space<semaphore_mem>> -> memref<!tpu.dma_semaphore, #tpu.memory_space<semaphore_mem>>
    tpu.wait_indirect_dma semaphore(%dma_wait3A_688 : memref<!tpu.dma_semaphore, #tpu.memory_space<semaphore_mem>>) src(%dma_wait3A_686 : memref<100000x128xf32, #tpu.memory_space<hbm>>) dst(%dma_wait3A_680 : memref<72x128xf32, #tpu.memory_space<vmem>>)
    %dma_wait3A_689 = arith.constant 0 : i32
    %dma_wait3A_690 = arith.constant 1 : i32
    %dma_wait3A_691 = arith.constant 200 : i32
    %dma_wait3A_692 = arith.constant 0 : i32
    %dma_wait3A_693 = tpu.memref_slice %arg9[%dma_wait3A_691, %dma_wait3A_692] : memref<600x128xf32, #tpu.memory_space<vmem>> -> memref<200x128xf32, #tpu.memory_space<vmem>>
    %dma_wait3A_694 = arith.constant 0 : i32
    %dma_wait3A_695 = arith.constant 0 : i32
    %dma_wait3A_696 = tpu.memref_slice %arg5[%dma_wait3A_689, %dma_wait3A_694, %dma_wait3A_695] : memref<4096x200x128xf32, #tpu.memory_space<hbm>> -> memref<1x200x128xf32, #tpu.memory_space<hbm>>
    %dma_wait3A_697 = tpu.memref_squeeze %dma_wait3A_696 : memref<1x200x128xf32, #tpu.memory_space<hbm>> -> memref<200x128xf32, #tpu.memory_space<hbm>>
    %dma_wait3A_698 = tpu.memref_slice %arg12[%dma_wait3A_690] : memref<3x!tpu.dma_semaphore, #tpu.memory_space<semaphore_mem>> -> memref<1x!tpu.dma_semaphore, #tpu.memory_space<semaphore_mem>>
    %dma_wait3A_699 = tpu.memref_squeeze %dma_wait3A_698 : memref<1x!tpu.dma_semaphore, #tpu.memory_space<semaphore_mem>> -> memref<!tpu.dma_semaphore, #tpu.memory_space<semaphore_mem>>
    %dma_wait3A_700 = arith.constant 0 : i32
    %dma_wait3A_701 = arith.constant 0 : i32
    %dma_wait3A_702 = tpu.memref_slice %arg5[%dma_wait3A_689, %dma_wait3A_700, %dma_wait3A_701] : memref<4096x200x128xf32, #tpu.memory_space<hbm>> -> memref<1x200x128xf32, #tpu.memory_space<hbm>>
    %dma_wait3A_703 = tpu.memref_squeeze %dma_wait3A_702 : memref<1x200x128xf32, #tpu.memory_space<hbm>> -> memref<200x128xf32, #tpu.memory_space<hbm>>
    %dma_wait3A_704 = arith.constant 200 : i32
    %dma_wait3A_705 = arith.constant 0 : i32
    %dma_wait3A_706 = tpu.memref_slice %arg9[%dma_wait3A_704, %dma_wait3A_705] : memref<600x128xf32, #tpu.memory_space<vmem>> -> memref<200x128xf32, #tpu.memory_space<vmem>>
    tpu.wait_dma2 semaphore(%dma_wait3A_699 : memref<!tpu.dma_semaphore, #tpu.memory_space<semaphore_mem>>) src(%dma_wait3A_706 : memref<200x128xf32, #tpu.memory_space<vmem>>) dst(%dma_wait3A_703 : memref<200x128xf32, #tpu.memory_space<hbm>>)
    return
  }
}

</mosaic_0001>

<sc_bundles>
// kernel: kernel.3.cloned.1.call-start
scs
__scs_entry_jumppad:
0x0: {  	(pc) =	sbr.rel $0x88, $3  }
0x1: {  	(tag) =	ssettag $0x0;
	lr =	simm.s32 $0x1  }
0x2: {  	[smem:$0x3F9E] =	sst lr;
	_ =	strace $0xD0000000  }
0x3: {  	_ = 	snop  }
0x4: {  	_ = 	snop  }
0x5: {  	_ = 	snop  }
0x6: {  	_ = 	snop  }
0x7: {  	_ = 	snop  }
__scs_overlays_trampoline_lowered:
0x8: {  	[smem:$0x3FAD] =	sst s0  }
0x9: {  	[smem:$0x3FAE] =	sst s1  }
0xa: {  	[smem:$0x3FAF] =	sst s2  }
0xb: {  	[smem:$0x3FB0] =	sst s3  }
0xc: {  	[smem:$0x3FB1] =	sst s4  }
0xd: {  	[smem:$0x3FB2] =	sst s5  }
0xe: {  	[smem:$0x3FB3] =	sst s6  }
0xf: {  	[smem:$0x3FB4] =	sst s7  }
0x10: {  	[smem:$0x3FB5] =	sst s8  }
0x11: {  	[smem:$0x3FB6] =	sst s9;
	s0 =	simm.s32 @!p0 $0x0  }
0x12: {  	s1 =	sld [smem:$0x3F9C];
	s0 =	simm.s32 @p0 $0x1  }
0x13: {  	[smem:$0x3FB7] =	sst s0;
	s0 =	simm.s32 @!p1 $0x0  }
0x14: {  	s2 =	sld [smem:$0x3F9B];
	s0 =	simm.s32 @p1 $0x1  }
0x15: {  	[smem:$0x3FB8] =	sst s0;
	s0 =	simm.s32 @!p2 $0x0  }
0x16: {  	s3 =	sld [smem:$0x3FDB];
	s0 =	simm.s32 @p2 $0x1  }
0x17: {  	s4 =	simm.s32 $0x1BF5;
	[smem:$0x3FBA] =	sst s0  }
0x18: {  	s0 =	sld [smem:$0x3F9D];
	_ =	swait.ge [sflag:s4], $0x0  }
0x19: {  	s7 =	sld [smem:$0x3F9E]  }
0x1a: {  	s8 =	sadd.s32 $0xFFFFE003, lr  }
0x1b: {  	s9 =	sadd.s32 $0xFFFFFEF7, lr;
	s5 =	simm.s32 $0xFFFFFFFF;
	p2 =	slt.u32 s8, $0xFFFFF086  }
0x1c: {  	p1 =	slt.u32 s9, $0xF7A;
	s5 =	simm.s32 @!p2 $0x0  }
0x1d: {  	s5 =	simm.s32 @p1 $0x1;
	p0 =	seq.s32 s7, s2  }
0x1e: {  	s7 =	smul.u32 @!p0 $0xF7A, s2;
	p2 =	seq.s32 @!p0 s5, $0x0  }
0x1f: {  	s9 =	smul.u32 $0xF7A, s1;
	s8 =	simm.s32 @!p0 $0x1BF5;
	p2 =	por !p2, p0  }
0x20: {  	[sflag:s8] =	ssyncset.s32 @!p0 $0xFFFFF086;
	s6 =	sadd.s32 @!p0 s3, s7;
	s7 =	simm.s32 @!p0 $0x108  }
0x21: {  	s3 =	sadd.s32 s3, s9;
	s6 =	sadd.s32 @!p0 $0x88, s6;
	s7 =	simm.s32 @p2 $0x1082  }
0x22: {  	[simem:s7], [sflag:s8] =	dma.local @!p0 [hbm:s6], $0xF7A  }
0x23: {  	s9 =	sor.u32 $0xD0000000, s2;
	s6 =	simm.s32 $0x108;
	_ =	swait.ge @!p0 [sflag:s8], $0x0  }
0x24: {  	s3 =	sadd.s32 $0x88, s3;
	s6 =	simm.s32 @!p1 $0x1082;
	[sflag:s4] =	ssyncset.s32 $0xFFFFF086  }
0x25: {  	[simem:s6], [sflag:s4] =	dma.local [hbm:s3], $0xF7A  }
0x26: {  	[smem:$0x3F9E] =	sst s1;
	(tag) =	ssettag s2;
	_ =	strace s9  }
0x27: {  	s1 =	sld [smem:$0x3FAE]  }
0x28: {  	s2 =	sld [smem:$0x3FAF]  }
0x29: {  	s4 =	sld [smem:$0x3FB1]  }
0x2a: {  	p0 =	seq.s32 s5, $0x0;
	s5 =	sld [smem:$0x3FB2]  }
0x2b: {  	s6 =	sld [smem:$0x3FB3]  }
0x2c: {  	s7 =	sld [smem:$0x3FB4]  }
0x2d: {  	s3 =	simm.s32 $0x108;
	s8 =	sld [smem:$0x3FB5]  }
0x2e: {  	s3 =	simm.s32 @!p0 $0x1082;
	s9 =	sld [smem:$0x3FB6]  }
0x2f: {  	lr =	sadd.s32 s0, s3;
	s0 =	sld [smem:$0x3FAD]  }
0x30: {  	s3 =	sld [smem:$0x3FB0]  }
0x31: {  	[smem:$0x3FB9] =	sst s10  }
0x32: {  	s10 =	sld [smem:$0x3FB7];
	_ =	sdelay $0x3  }
0x33: {  	p0 =	seq.s32 s10, $0x1;
	s10 =	sld [smem:$0x3FB9];
	_ =	sdelay $0x3  }
0x34: {  	[smem:$0x3FB9] =	sst s10  }
0x35: {  	s10 =	sld [smem:$0x3FB8];
	_ =	sdelay $0x3  }
0x36: {  	p1 =	seq.s32 s10, $0x1;
	s10 =	sld [smem:$0x3FB9];
	_ =	sdelay $0x3  }
0x37: {  	[smem:$0x3FB9] =	sst s10  }
0x38: {  	s10 =	sld [smem:$0x3FBA]  }
0x39: {  	_ = 	snop;
	(pc) =	sbr.ind lr, $3  }
0x3a: {  	_ = 	snop  }
0x3b: {  	_ = 	snop  }
0x3c: {  	p2 =	seq.s32 s10, $0x1;
	s10 =	sld [smem:$0x3FB9]  }
0x3d: {  	_ =	shalt  }
0x3e: {  	_ =	shalt  }
0x3f: {  	_ =	shalt  }
0x40: {  	_ =	shalt  }
0x41: {  	_ =	shalt  }
0x42: {  	_ =	shalt  }
0x43: {  	_ =	shalt  }
0x44: {  	_ =	shalt  }
0x45: {  	_ =	shalt  }
0x46: {  	_ =	shalt  }
0x47: {  	_ =	shalt  }
0x48: {  	_ =	shalt  }
0x49: {  	_ =	shalt  }
0x4a: {  	_ =	shalt  }
0x4b: {  	_ =	shalt  }
0x4c: {  	_ =	shalt  }
0x4d: {  	_ =	shalt  }
0x4e: {  	_ =	shalt  }
0x4f: {  	_ =	shalt  }
0x50: {  	_ =	shalt  }
0x51: {  	_ =	shalt  }
0x52: {  	_ =	shalt  }
0x53: {  	_ =	shalt  }
0x54: {  	_ =	shalt  }
0x55: {  	_ =	shalt  }
0x56: {  	_ =	shalt  }
0x57: {  	_ =	shalt  }
0x58: {  	_ =	shalt  }
0x59: {  	_ =	shalt  }
0x5a: {  	_ =	shalt  }
0x5b: {  	_ =	shalt  }
0x5c: {  	_ =	shalt  }
0x5d: {  	_ =	shalt  }
0x5e: {  	_ =	shalt  }
0x5f: {  	_ =	shalt  }
0x60: {  	_ =	shalt  }
0x61: {  	_ =	shalt  }
0x62: {  	_ =	shalt  }
0x63: {  	_ =	shalt  }
0x64: {  	_ =	shalt  }
0x65: {  	_ =	shalt  }
0x66: {  	_ =	shalt  }
0x67: {  	_ =	shalt  }
0x68: {  	_ =	shalt  }
0x69: {  	_ =	shalt  }
0x6a: {  	_ =	shalt  }
0x6b: {  	_ =	shalt  }
0x6c: {  	_ =	shalt  }
0x6d: {  	_ =	shalt  }
0x6e: {  	_ =	shalt  }
0x6f: {  	_ =	shalt  }
0x70: {  	_ =	shalt  }
0x71: {  	_ =	shalt  }
0x72: {  	_ =	shalt  }
0x73: {  	_ =	shalt  }
0x74: {  	_ =	shalt  }
0x75: {  	_ =	shalt  }
0x76: {  	_ =	shalt  }
0x77: {  	_ =	shalt  }
0x78: {  	_ =	shalt  }
0x79: {  	_ =	shalt  }
0x7a: {  	_ =	shalt  }
0x7b: {  	_ =	shalt  }
0x7c: {  	_ =	shalt  }
0x7d: {  	_ =	shalt  }
0x7e: {  	_ =	shalt  }
0x7f: {  	_ =	shalt  }
0x80: {  	_ =	shalt  }
0x81: {  	_ =	shalt  }
0x82: {  	_ =	shalt  }
0x83: {  	_ =	shalt  }
0x84: {  	_ =	shalt  }
0x85: {  	_ =	shalt  }
0x86: {  	_ =	shalt  }
0x87: {  	_ =	shalt  }
.Lfunc_end0:
.L_simem_size_0:
called_computation.1_lowered:
.L_overlay_start_0:
0x88: {  	s2 =	sld [smem:$0x3FD9]  }
0x89: {  	s3 =	sld [smem:$0x3FFE];
	_ =	sdelay $0x1  }
0x8a: {  	s1 =	srdreg.scid  }
0x8b: {  	s0 =	sand.u32 $0x1, s1  }
0x8c: {  	s16 =	sshll.u32 s0, $0xA;
	s2 =	sadd.s32 s3, s2  }
0x8d: {  	s2 =	sadd.s32 s2, s16  }
0x8e: {  	[smem:$0x3FC5] =	sst s2  }
0x8f: {  	_ = 	snop  }
0x90: {  	(tm) =	ssettm $0x1  }
0x91: {  	s17 =	sld [smem:$0x3FFB];
	_ =	sdelay $0x3  }
0x92: {  	_ =	strace s17  }
0x93: {  	s2 =	sld [smem:$0x3FFC];
	_ =	sdelay $0x3  }
0x94: {  	_ =	strace s2  }
0x95: {  	s2 =	sld [smem:$0x3FFD];
	_ =	sdelay $0x3  }
0x96: {  	_ =	strace s2  }
0x97: {  	_ =	strace $0x8FFFFFFF  }
0x98: {  	s18 =	sld [smem:$0x3FDB];
	_ =	sdelay $0x1  }
0x99: {  	s19 =	simm.s32 $_scs_section_size  }
0x9a: {  	s4 =	simm.s32 $_size__tile_overlayer_lowered;
	s5 =	simm.s32 $_tile_overlayer_lowered  }
0x9b: {  	s22 =	simm.s32 $0x1BFF;
	s21 =	sshll.u32 s5, $0x1;
	s2 =	sadd.s32 s19, s18  }
0x9c: {  	s6 =	simm.s32 $0x0;
	s20 =	sshll.u32 s4, $0x1;
	s4 =	sadd.s32 s21, s2  }
0x9d: {  	[timem:s6], [sflag:s22] =	dma.local [hbm:s4], s20  }
0x9e: {  	_ =	swait.ge [sflag:s22], s20  }
0x9f: {  	s3 =	ssub.s32 $0x0, s20;
	[sflag:s22] =	ssyncset.done $0x0  }
0xa0: {  	[sflag:s22] =	ssyncadd.s32 s3;
	_ =	sdelay $0x1  }
0xa1: {  	s23 =	simm.s32 $0x1B8B  }
0xa2: {  	_ =	swait.ge [sflag:s23], $0x1  }
0xa3: {  	[sflag:s23] =	ssyncset.done $0x0  }
0xa4: {  	s25 =	simm.s32 $0x1B8E;
	s24 =	sld [smem:$0x3FFE];
	[sflag:s23] =	ssyncadd.s32 $0xFFFFFFFF  }
0xa5: {  	s26 =	simm.s32 $execute0_lowered;
	[smem:$0x3FD2] =	sst s25  }
0xa6: {  	s4 =	sshll.u32 s26, $0x1;
	_ =	strace $0x80000046;
	[dreg:$0x1] =	wrdreg $0xFFFFFFFF  }
0xa7: {  	s28 =	simm.s32 $_size_execute0_lowered;
	s2 =	sadd.s32 s2, s4;
	[dreg:$0x0] =	wrdreg $0x0  }
0xa8: {  	s4 =	sshll.u32 s28, $0x1;
	[dreg:$0x2] =	wrdreg s2  }
0xa9: {  	[dreg:$0x3] =	wrdreg s4  }
0xaa: {  	[dreg:$0x4] =	wrdreg $0xC0  }
0xab: {  	_ =	task [dreg:s6], $0x5FFFF  }
0xac: {  	[dreg:$0x1] =	wrdreg $0xFFFFFFFF  }
0xad: {  	[dreg:$0x0] =	wrdreg $0x60  }
0xae: {  	[dreg:$0x2] =	wrdreg s24  }
0xaf: {  	[dreg:$0x3] =	wrdreg $0x9  }
0xb0: {  	_ =	task.clear_ibuf [dreg:s6], $0x4FFFF;
	_ =	strace $0x90000046  }
0xb1: {  	s29 =	simm.s32 $0x9;
	_ =	strace $0x80000048  }
0xb2: {  	_ =	swait.ge [sflag:s29], $0x1  }
0xb3: {  	[sflag:s29] =	ssyncadd.s32 $0xFFFFFFFF  }
0xb4: {  	_ =	strace $0x90000048  }
0xb5: {  	_ =	sfence  }
0xb6: {  	s30 =	sld [smem:$0x0];
	_ =	sdelay $0x2  }
0xb7: {  	s31 =	sshll.u32 s1, $0xD;
	s1 =	sshrl.u32 s1, $0x2  }
0xb8: {  	s3 =	sand.u32 $0x4000, s31;
	s1 =	sadd.s32 s1, s30  }
0xb9: {  	s0 =	sor.u32 s3, s0;
	s1 =	sshll.u32 s1, $0x11  }
0xba: {  	s0 =	sor.u32 s1, s0  }
0xbb: {  	s0 =	sadd.s32 $0x8F2B, s0  }
0xbc: {  	[sflag:s0] =	ssyncadd.remote.s32 $0x1  }
0xbd: {  	_ =	sfence.sel $0xFFFF  }
0xbe: {  	[dreg:$0x0] =	wrdreg $0xFFFFFFFF;
	(pc) =	sbr.abs _section_cstart, $3  }
0xbf: {  	[dreg:$0x1] =	wrdreg $0xFFFFFFFF  }
0xc0: {  	_ =	task.clear_ibuf [dreg:s6], $0x2FFFF;
	_ =	strace $0x9FFFFFFF  }
0xc1: {  	(tm) =	ssettm $0x7FFFFFFF  }
tec
execute0_lowered:
.L_overlay_start_1:
0x0: {  	(tag) =	ssettag $0x1  }
0x1: {  	s0 =	srdreg.scid;
	s2 =	stileid.u32  }
0x2: {  	s1 =	rddreg [dreg:$0x0];
	s13 =	simm.s32 $0x7;
	s14 =	simm.s32 $0x80  }
0x3: {  	s26 =	simm.s32 $0x4000;
	s16 =	simm.s32 $0x4400;
	s17 =	simm.s32 $0x48  }
0x4: {  	s18 =	simm.s32 $0x4200;
	s19 =	simm.s32 $0x8400;
	s21 =	simm.s32 $0xA800  }
0x5: {  	s24 =	simm.s32 $0x1;
	s30 =	simm.s32 $0x2;
	s31 =	simm.s32 $0x4  }
0x6: {  	s12 =	simm.s32 $0x0;
	s0 =	sand.u32 $0x1, s0;
	s3 =	sshll.u32 s2, $0x8  }
0x7: {  	s2 =	simm.s32 $0x0;
	s5 =	sadd.s32 $0x1A8000, s1;
	s6 =	sadd.s32 $0x800, s1  }
0x8: {  	s4 =	sshll.u32 s0, $0x7;
	[smem:$0x7FF] =	sst s2;
	s0 =	ssub.s32 $0x2, s0  }
0x9: {  	s3 =	sor.u32 s4, s3;
	_ =	strace $0x80000047;
	s29 =	sshrl.u32 s0, $0x1  }
0xa: {  	s4 =	sshll.u32 s3, $0x5;
	s7 =	smul.u32 $0xC80, s3;
	s0 =	ssub.s32 s0, s29  }
0xb: {  	s10 =	sadd.s32 s4, s1;
	s4 =	sadd.s32 $0x21600, s1;
	s11 =	smax.u32 s0, $0x1  }
0xc: {  	s1 =	simm.s32 $0x3;
	s0 =	simm.s32 $0x5;
	s7 =	sadd.s32 s5, s7  }
0xd: {  	s8 =	sadd.s32 $0x1600, s10;
	s10 =	sadd.s32 $0x1E00, s10;
	s9 =	sadd.s32 $0xC80, s7  }
.LBB2_1:
0xe: {  	s15 =	simm.s32 $0x17000  }
0xf: {  	[tilespmem:s15], [sflag:$0x7] =	stream.linear.gather [hbm4b:s6+s2], $0x6400, $0x38;
	[tilespmem:$0x1D400] =	vst v63  }
0x10: {  	_ =	swait.ge [sflag:s13], $0x6400  }
0x11: {  	[sflag:s13] =	ssyncset.done $0x0  }
0x12: {  	[sflag:s13] =	ssyncadd.s32 $0xFFFF9C00  }
0x13: {  	[tilespmem:s2], [sflag:$0x7] =	stream.linear.gather [hbm4b:s8+s2], $0x4000, $0x38;
	[tilespmem:$0x1D400] =	vst v63  }
0x14: {  	_ =	swait.ge [sflag:s13], $0x4000  }
0x15: {  	[sflag:s13] =	ssyncset.done $0x0  }
0x16: {  	[sflag:s13] =	ssyncadd.s32 $0xFFFFC000  }
0x17: {  	v0 =	vld [tilespmem:$0x0]  }
0x18: {  	v1 =	vld [tilespmem:$0x10]  }
0x19: {  	v2 =	vld [tilespmem:$0x20]  }
0x1a: {  	v3 =	vld [tilespmem:$0x30]  }
0x1b: {  	v4 =	vld [tilespmem:$0x40]  }
0x1c: {  	[tilespmem:$0x4000] =	vst v0;
	v0 =	vld [tilespmem:$0x50]  }
0x1d: {  	[tilespmem:$0x4010] =	vst v1;
	v1 =	vld [tilespmem:$0x60]  }
0x1e: {  	[tilespmem:$0x4020] =	vst v2;
	v2 =	vld [tilespmem:$0x70]  }
0x1f: {  	[tilespmem:$0x4030] =	vst v3;
	v3 =	vld [tilespmem:$0x400]  }
0x20: {  	[tilespmem:$0x4040] =	vst v4;
	v4 =	vld [tilespmem:$0x410]  }
0x21: {  	[tilespmem:$0x4050] =	vst v0;
	v0 =	vld [tilespmem:$0x420]  }
0x22: {  	[tilespmem:$0x4060] =	vst v1;
	v1 =	vld [tilespmem:$0x430]  }
0x23: {  	[tilespmem:$0x4070] =	vst v2;
	v2 =	vld [tilespmem:$0x438]  }
0x24: {  	[tilespmem:$0x4200] =	vst v3  }
0x25: {  	[tilespmem:$0x4210] =	vst v4  }
0x26: {  	[tilespmem:$0x4220] =	vst v0  }
0x27: {  	[tilespmem:$0x4230] =	vst v1  }
0x28: {  	[tilespmem:$0x4238] =	vst v2  }
0x29: {  	[tilespmem:s16], [sflag:$0x1] =	stream.indirect.gather [hbm4b:s4+s14], $0x80, s26, s14, $0xb8;
	[tilespmem:$0x1D400] =	vst v63  }
0x2a: {  	_ = 	snop  }
0x2b: {  	[tilespmem:s19], [sflag:$0x1] =	stream.indirect.gather [hbm4b:s4+s17], $0x80, s18, s17, $0xb8;
	[tilespmem:$0x1D400] =	vst v63  }
0x2c: {  	v0 =	vld [tilespmem:$0x80]  }
0x2d: {  	v1 =	vld [tilespmem:$0x90]  }
0x2e: {  	v2 =	vld [tilespmem:$0xA0]  }
0x2f: {  	v3 =	vld [tilespmem:$0xB0]  }
0x30: {  	v4 =	vld [tilespmem:$0xC0]  }
0x31: {  	[tilespmem:$0x4080] =	vst v0;
	v0 =	vld [tilespmem:$0xD0]  }
0x32: {  	[tilespmem:$0x4090] =	vst v1;
	v1 =	vld [tilespmem:$0xE0]  }
0x33: {  	[tilespmem:$0x40A0] =	vst v2;
	v2 =	vld [tilespmem:$0xF0]  }
0x34: {  	[tilespmem:$0x40B0] =	vst v3;
	v3 =	vld [tilespmem:$0x480]  }
0x35: {  	[tilespmem:$0x40C0] =	vst v4;
	v4 =	vld [tilespmem:$0x490]  }
0x36: {  	[tilespmem:$0x40D0] =	vst v0;
	v0 =	vld [tilespmem:$0x4A0]  }
0x37: {  	[tilespmem:$0x40E0] =	vst v1;
	v1 =	vld [tilespmem:$0x4B0]  }
0x38: {  	[tilespmem:$0x40F0] =	vst v2;
	v2 =	vld [tilespmem:$0x4B8]  }
0x39: {  	[tilespmem:$0x4280] =	vst v3  }
0x3a: {  	[tilespmem:$0x4290] =	vst v4  }
0x3b: {  	[tilespmem:$0x42A0] =	vst v0  }
0x3c: {  	[tilespmem:$0x42B0] =	vst v1  }
0x3d: {  	s28 =	simm.s32 $0x4080;
	[tilespmem:$0x42B8] =	vst v2  }
0x3e: {  	[tilespmem:s21], [sflag:$0x2] =	stream.indirect.gather [hbm4b:s4+s14], $0x80, s28, s14, $0xb8;
	[tilespmem:$0x1D400] =	vst v63  }
0x3f: {  	s29 =	simm.s32 $0x4280;
	s20 =	simm.s32 $0xE800  }
0x40: {  	[tilespmem:s20], [sflag:$0x2] =	stream.indirect.gather [hbm4b:s4+s17], $0x80, s29, s17, $0xb8;
	[tilespmem:$0x1D400] =	vst v63  }
0x41: {  	_ =	swait.ge [sflag:s24], $0x4000  }
0x42: {  	[sflag:s24] =	ssyncset.done $0x0  }
0x43: {  	[sflag:s24] =	ssyncadd.s32 $0xFFFFC000  }
0x44: {  	_ =	swait.ge [sflag:s24], $0x2400  }
0x45: {  	[sflag:s24] =	ssyncset.done $0x0  }
0x46: {  	s20 =	simm.s32 $0x4600;
	[sflag:s24] =	ssyncadd.s32 $0xFFFFDC00  }
0x47: {  	s22 =	simm.s32 $0x17200;
	v0 =	vld [tilespmem:s20+$0x180]  }
0x48: {  	v1 =	vld [tilespmem:s22+$0x180]  }
0x49: {  	v2 =	vld [tilespmem:s22+$0xFFFFFE00]  }
0x4a: {  	v3 =	vld [tilespmem:s20+$0xFFFFFE80]  }
0x4b: {  	v4 =	vld [tilespmem:s20+$0xFFFFFF00]  }
0x4c: {  	v6 =	vld [tilespmem:s22+$0xFFFFFF00]  }
0x4d: {  	v7 =	vld [tilespmem:s20+$0xFFFFFF80]  }
0x4e: {  	v8 =	vld [tilespmem:s22+$0xFFFFFF80]  }
0x4f: {  	v9 =	vld [tilespmem:s20+$0x0]  }
0x50: {  	v10 =	vld [tilespmem:s22+$0x0]  }
0x51: {  	v11 =	vld [tilespmem:s22+$0x80]  }
0x52: {  	v60 =	vld [tilespmem:s20+$0xFFFFFF90]  }
0x53: {  	v13 =	vld [tilespmem:s20+$0x10]  }
0x54: {  	v61 =	vld [tilespmem:s20+$0xFFFFFFA0]  }
0x55: {  	v62 =	vld [tilespmem:s20+$0xA0];
	v0 =	vadd.f32 v1, v0  }
0x56: {  	v1 =	vld [tilespmem:s22+$0xFFFFFE80]  }
0x57: {  	[tilespmem:s20+$0x180] =	vst v0;
	v0 =	vld [tilespmem:s20+$0x190]  }
0x58: {  	v5 =	vld [tilespmem:s22+$0x190]  }
0x59: {  	v63 =	vld [tilespmem:s20+$0xFFFFFE30];
	v4 =	vadd.f32 v6, v4  }
0x5a: {  	v6 =	vld [tilespmem:s22+$0x100]  }
0x5b: {  	[tilespmem:s20+$0xFFFFFF00] =	vst v4;
	v4 =	vadd.f32 v10, v9;
	v10 =	vld [tilespmem:s20+$0xFFFFFE90];
	v1 =	vadd.f32 v1, v3  }
0x5c: {  	v3 =	vld [tilespmem:s20+$0x100]  }
0x5d: {  	[tilespmem:s20+$0xFFFFFE80] =	vst v1;
	v0 =	vadd.f32 v5, v0;
	v5 =	vld [tilespmem:s20+$0x80]  }
0x5e: {  	v1 =	vadd.f32 v8, v7;
	v8 =	vld [tilespmem:s22+$0xFFFFFE90]  }
0x5f: {  	[tilespmem:s20+$0x190] =	vst v0;
	v0 =	vld [tilespmem:s20+$0x1A0]  }
0x60: {  	[tilespmem:s20+$0x0] =	vst v4;
	v12 =	vld [tilespmem:s22+$0x1A0]  }
0x61: {  	v9 =	vld [tilespmem:s22+$0x10]  }
0x62: {  	v7 =	vld [tilespmem:s20+$0xFFFFFE00]  }
0x63: {  	[tilespmem:s20+$0xFFFFFF80] =	vst v1;
	v1 =	vld [tilespmem:s22+$0xFFFFFF10]  }
0x64: {  	v4 =	vld [tilespmem:s22+$0xFFFFFF90];
	v8 =	vadd.f32 v8, v10  }
0x65: {  	v5 =	vadd.f32 v11, v5;
	v11 =	vld [tilespmem:s20+$0xFFFFFF10];
	v0 =	vadd.f32 v12, v0  }
0x66: {  	v10 =	vld [tilespmem:s20+$0x110];
	[tilespmem:s20+$0xFFFFFE90] =	vst v8  }
0x67: {  	v8 =	vld [tilespmem:s22+$0xFFFFFEA0];
	[tilespmem:s20+$0x1A0] =	vst v0;
	v0 =	vadd.f32 v2, v7  }
0x68: {  	[tilespmem:s20+$0x80] =	vst v5;
	v7 =	vld [tilespmem:s20+$0x1B0];
	v2 =	vadd.f32 v6, v3  }
0x69: {  	v5 =	vld [tilespmem:s22+$0x1B0];
	[tilespmem:s20+$0xFFFFFE00] =	vst v0  }
0x6a: {  	v1 =	vadd.f32 v1, v11;
	[tilespmem:s20+$0x100] =	vst v2;
	v2 =	vld [tilespmem:s20+$0xFFFFFE10]  }
0x6b: {  	v3 =	vld [tilespmem:s22+$0xFFFFFE10]  }
0x6c: {  	[tilespmem:s20+$0xFFFFFF10] =	vst v1;
	v1 =	vadd.f32 v9, v13;
	v6 =	vld [tilespmem:s22+$0x110]  }
0x6d: {  	v4 =	vadd.f32 v4, v60;
	v0 =	vld [tilespmem:s22+$0x90]  }
0x6e: {  	v9 =	vld [tilespmem:s22+$0xFFFFFF20];
	[tilespmem:s20+$0x10] =	vst v1  }
0x6f: {  	[tilespmem:s20+$0xFFFFFF90] =	vst v4;
	v4 =	vld [tilespmem:s22+$0x20]  }
0x70: {  	v2 =	vadd.f32 v3, v2;
	v3 =	vld [tilespmem:s20+$0x90]  }
0x71: {  	v1 =	vadd.f32 v6, v10;
	v10 =	vld [tilespmem:s20+$0xFFFFFF20]  }
0x72: {  	[tilespmem:s20+$0xFFFFFE10] =	vst v2;
	v2 =	vld [tilespmem:s20+$0xFFFFFE20]  }
0x73: {  	v11 =	vld [tilespmem:s22+$0xFFFFFE20]  }
0x74: {  	v5 =	vadd.f32 v5, v7;
	[tilespmem:s20+$0x110] =	vst v1;
	v1 =	vld [tilespmem:s20+$0xFFFFFEA0]  }
0x75: {  	v7 =	vld [tilespmem:s20+$0x30]  }
0x76: {  	[tilespmem:s20+$0x1B0] =	vst v5;
	v5 =	vld [tilespmem:s20+$0xB0]  }
0x77: {  	v6 =	vld [tilespmem:s22+$0x120]  }
0x78: {  	v0 =	vadd.f32 v0, v3;
	v3 =	vld [tilespmem:s22+$0xFFFFFFA0];
	v2 =	vadd.f32 v11, v2  }
0x79: {  	v1 =	vadd.f32 v8, v1;
	v8 =	vadd.f32 v9, v10;
	v9 =	vld [tilespmem:s20+$0xFFFFFF30]  }
0x7a: {  	[tilespmem:s20+$0xFFFFFE20] =	vst v2;
	v2 =	vld [tilespmem:s20+$0x120]  }
0x7b: {  	[tilespmem:s20+$0x90] =	vst v0;
	v11 =	vld [tilespmem:s20+$0x20]  }
0x7c: {  	v0 =	vld [tilespmem:s22+$0xA0];
	[tilespmem:s20+$0xFFFFFEA0] =	vst v1  }
0x7d: {  	[tilespmem:s20+$0xFFFFFF20] =	vst v8;
	v8 =	vld [tilespmem:s20+$0xFFFFFFB0]  }
0x7e: {  	v1 =	vadd.f32 v3, v61;
	v14 =	vld [tilespmem:s22+$0xFFFFFEB0]  }
0x7f: {  	v10 =	vld [tilespmem:s22+$0xFFFFFE30];
	v6 =	vadd.f32 v6, v2  }
0x80: {  	[tilespmem:s20+$0xFFFFFFA0] =	vst v1;
	v3 =	vadd.f32 v4, v11;
	v4 =	vld [tilespmem:s22+$0xFFFFFF30]  }
0x81: {  	v0 =	vadd.f32 v0, v62;
	[tilespmem:s20+$0x120] =	vst v6;
	v6 =	vld [tilespmem:s20+$0xFFFFFEB0]  }
0x82: {  	v1 =	vld [tilespmem:s22+$0xFFFFFFB0];
	[tilespmem:s20+$0x20] =	vst v3  }
0x83: {  	[tilespmem:s20+$0xA0] =	vst v0;
	v2 =	vld [tilespmem:s22+$0x30]  }
0x84: {  	v3 =	vld [tilespmem:s22+$0xB0];
	v10 =	vadd.f32 v10, v63  }
0x85: {  	v0 =	vld [tilespmem:s22+$0x130]  }
0x86: {  	s23 =	simm.s32 $0x0;
	s25 =	simm.s32 $0x4A00;
	[tilespmem:s20+$0xFFFFFE30] =	vst v10;
	v10 =	vadd.f32 v14, v6;
	v6 =	vld [tilespmem:s20+$0x130]  }
.LBB2_2:
0x87: {  	v11 =	vld [tilespmem:s25+$0x180];
	v4 =	vadd.f32 v4, v9;
	s22 =	sadd.s32 $0x400, s22  }
0x88: {  	s23 =	sadd.s32 $0x8, s23;
	v9 =	vld [tilespmem:s22+$0x180];
	[tilespmem:s20+$0xFFFFFEB0] =	vst v10;
	v1 =	vadd.f32 v1, v8  }
0x89: {  	p0 =	slt.u32 s23, $0xC0;
	v8 =	vld [tilespmem:s22+$0xFFFFFE00];
	[tilespmem:s20+$0xFFFFFF30] =	vst v4;
	v2 =	vadd.f32 v2, v7  }
0x8a: {  	v4 =	vld [tilespmem:s25+$0xFFFFFE80];
	[tilespmem:s20+$0xFFFFFFB0] =	vst v1;
	v1 =	vadd.f32 v3, v5  }
0x8b: {  	v3 =	vld [tilespmem:s22+$0xFFFFFE80];
	[tilespmem:s20+$0x30] =	vst v2;
	v0 =	vadd.f32 v0, v6  }
0x8c: {  	v2 =	vld [tilespmem:s25+$0xFFFFFF00];
	[tilespmem:s20+$0xB0] =	vst v1  }
0x8d: {  	v1 =	vld [tilespmem:s22+$0xFFFFFF00];
	v5 =	vadd.f32 v9, v11;
	[tilespmem:s20+$0x130] =	vst v0;
	s20 =	smov.u32 s25  }
0x8e: {  	v0 =	vld [tilespmem:s25+$0xFFFFFF80]  }
0x8f: {  	[tilespmem:s25+$0x180] =	vst v5;
	v5 =	vld [tilespmem:s25+$0x190]  }
0x90: {  	v3 =	vadd.f32 v3, v4;
	v4 =	vld [tilespmem:s22+$0x190]  }
0x91: {  	v6 =	vld [tilespmem:s22+$0xFFFFFF80]  }
0x92: {  	[tilespmem:s25+$0xFFFFFE80] =	vst v3;
	v1 =	vadd.f32 v1, v2;
	v2 =	vld [tilespmem:s25+$0x0]  }
0x93: {  	v3 =	vld [tilespmem:s22+$0x0]  }
0x94: {  	[tilespmem:s25+$0xFFFFFF00] =	vst v1;
	v1 =	vld [tilespmem:s25+$0x80]  }
0x95: {  	v7 =	vld [tilespmem:s22+$0x80];
	v4 =	vadd.f32 v4, v5  }
0x96: {  	v0 =	vadd.f32 v6, v0;
	v5 =	vld [tilespmem:s25+$0x100]  }
0x97: {  	[tilespmem:s25+$0x190] =	vst v4;
	v4 =	vld [tilespmem:s25+$0x1A0]  }
0x98: {  	[tilespmem:s25+$0xFFFFFF80] =	vst v0;
	v0 =	vadd.f32 v3, v2;
	v2 =	vld [tilespmem:s22+$0x1A0]  }
0x99: {  	v3 =	vld [tilespmem:s22+$0x100]  }
0x9a: {  	v6 =	vld [tilespmem:s25+$0xFFFFFE00];
	[tilespmem:s25+$0x0] =	vst v0;
	v0 =	vadd.f32 v7, v1  }
0x9b: {  	v1 =	vld [tilespmem:s22+$0xFFFFFE90]  }
0x9c: {  	v7 =	vld [tilespmem:s22+$0xFFFFFF10];
	[tilespmem:s25+$0x80] =	vst v0  }
0x9d: {  	v0 =	vld [tilespmem:s22+$0xFFFFFF90];
	v2 =	vadd.f32 v2, v4  }
0x9e: {  	v4 =	vld [tilespmem:s22+$0x10];
	v3 =	vadd.f32 v3, v5  }
0x9f: {  	v5 =	vadd.f32 v8, v6;
	[tilespmem:s25+$0x1A0] =	vst v2;
	v2 =	vld [tilespmem:s25+$0x1B0]  }
0xa0: {  	[tilespmem:s25+$0x100] =	vst v3;
	v3 =	vld [tilespmem:s22+$0x1B0]  }
0xa1: {  	[tilespmem:s25+$0xFFFFFE00] =	vst v5;
	v5 =	vld [tilespmem:s22+$0x90]  }
0xa2: {  	v6 =	vld [tilespmem:s22+$0xFFFFFE10]  }
0xa3: {  	v8 =	vld [tilespmem:s22+$0x110]  }
0xa4: {  	v9 =	vld [tilespmem:s25+$0xFFFFFE10]  }
0xa5: {  	v10 =	vld [tilespmem:s25+$0xFFFFFE90];
	v2 =	vadd.f32 v3, v2  }
0xa6: {  	v3 =	vld [tilespmem:s25+$0xFFFFFF10]  }
0xa7: {  	v11 =	vld [tilespmem:s25+$0xFFFFFF90];
	[tilespmem:s25+$0x1B0] =	vst v2  }
0xa8: {  	v2 =	vld [tilespmem:s25+$0x10]  }
0xa9: {  	v6 =	vadd.f32 v6, v9;
	v9 =	vld [tilespmem:s25+$0x90]  }
0xaa: {  	v1 =	vadd.f32 v1, v10;
	v10 =	vld [tilespmem:s25+$0x110]  }
0xab: {  	[tilespmem:s25+$0xFFFFFE10] =	vst v6;
	v6 =	vld [tilespmem:s25+$0xFFFFFE20];
	v3 =	vadd.f32 v7, v3  }
0xac: {  	v7 =	vld [tilespmem:s22+$0xFFFFFE20];
	[tilespmem:s25+$0xFFFFFE90] =	vst v1;
	v0 =	vadd.f32 v0, v11  }
0xad: {  	v1 =	vld [tilespmem:s22+$0xFFFFFEA0];
	[tilespmem:s25+$0xFFFFFF10] =	vst v3;
	v2 =	vadd.f32 v4, v2  }
0xae: {  	v3 =	vld [tilespmem:s22+$0xFFFFFF20];
	[tilespmem:s25+$0xFFFFFF90] =	vst v0;
	v0 =	vadd.f32 v5, v9  }
0xaf: {  	v4 =	vld [tilespmem:s22+$0xFFFFFFA0];
	[tilespmem:s25+$0x10] =	vst v2;
	v2 =	vadd.f32 v8, v10  }
0xb0: {  	v5 =	vld [tilespmem:s22+$0x20];
	[tilespmem:s25+$0x90] =	vst v0  }
0xb1: {  	v0 =	vadd.f32 v7, v6;
	v6 =	vld [tilespmem:s22+$0xA0];
	[tilespmem:s25+$0x110] =	vst v2  }
0xb2: {  	v2 =	vld [tilespmem:s22+$0x120]  }
0xb3: {  	[tilespmem:s25+$0xFFFFFE20] =	vst v0;
	v0 =	vld [tilespmem:s25+$0xFFFFFEA0]  }
0xb4: {  	v7 =	vld [tilespmem:s25+$0xFFFFFF20]  }
0xb5: {  	v8 =	vld [tilespmem:s25+$0xFFFFFFA0]  }
0xb6: {  	v9 =	vld [tilespmem:s25+$0x20]  }
0xb7: {  	v10 =	vld [tilespmem:s25+$0xA0]  }
0xb8: {  	v0 =	vadd.f32 v1, v0;
	v11 =	vld [tilespmem:s25+$0x120]  }
0xb9: {  	v12 =	vld [tilespmem:s22+$0xFFFFFE30];
	v1 =	vadd.f32 v3, v7  }
0xba: {  	v3 =	vld [tilespmem:s25+$0xFFFFFE30];
	[tilespmem:s25+$0xFFFFFEA0] =	vst v0;
	v0 =	vadd.f32 v4, v8  }
0xbb: {  	v13 =	vld [tilespmem:s22+$0xFFFFFEB0];
	[tilespmem:s25+$0xFFFFFF20] =	vst v1;
	v5 =	vadd.f32 v5, v9  }
0xbc: {  	v4 =	vld [tilespmem:s22+$0xFFFFFF30];
	[tilespmem:s25+$0xFFFFFFA0] =	vst v0;
	v0 =	vadd.f32 v6, v10  }
0xbd: {  	v1 =	vld [tilespmem:s22+$0xFFFFFFB0];
	[tilespmem:s25+$0x20] =	vst v5;
	v5 =	vadd.f32 v2, v11  }
0xbe: {  	v2 =	vld [tilespmem:s22+$0x30];
	[tilespmem:s25+$0xA0] =	vst v0  }
0xbf: {  	v6 =	vadd.f32 v12, v3;
	v3 =	vld [tilespmem:s22+$0xB0];
	[tilespmem:s25+$0x120] =	vst v5  }
0xc0: {  	v0 =	vld [tilespmem:s22+$0x130]  }
0xc1: {  	[tilespmem:s25+$0xFFFFFE30] =	vst v6;
	v6 =	vld [tilespmem:s25+$0xFFFFFEB0]  }
.Ltmp0:
0xc2: {  	v9 =	vld [tilespmem:s25+$0xFFFFFF30];
	(pc) =	sbr.rel @p0 .LBB2_2-.Ltmp0, $4  }
0xc3: {  	v8 =	vld [tilespmem:s25+$0xFFFFFFB0]  }
0xc4: {  	v7 =	vld [tilespmem:s25+$0x30]  }
0xc5: {  	v5 =	vld [tilespmem:s25+$0xB0]  }
0xc6: {  	s25 =	sadd.s32 $0x400, s25;
	v10 =	vadd.f32 v13, v6;
	v6 =	vld [tilespmem:s20+$0x130]  }
0xc7: {  	v4 =	vadd.f32 v4, v9  }
0xc8: {  	[tilespmem:s20+$0xFFFFFEB0] =	vst v10;
	v1 =	vadd.f32 v1, v8  }
0xc9: {  	[tilespmem:s20+$0xFFFFFF30] =	vst v4;
	v2 =	vadd.f32 v2, v7  }
0xca: {  	[tilespmem:s20+$0xFFFFFFB0] =	vst v1;
	v1 =	vadd.f32 v3, v5  }
0xcb: {  	[tilespmem:s20+$0x30] =	vst v2;
	v0 =	vadd.f32 v0, v6  }
0xcc: {  	[tilespmem:s20+$0xB0] =	vst v1  }
0xcd: {  	s23 =	simm.s32 $0x0;
	[tilespmem:s20+$0x130] =	vst v0  }
0xce: {  	[hbm4b:s7+s23] =	stream.linear.scatter [tilespmem:s16], [sflag:$0x4], $0x6400, $0x38;
	[tilespmem:$0x1D400] =	vst v63  }
0xcf: {  	v0 =	vld [tilespmem:$0x100]  }
0xd0: {  	v1 =	vld [tilespmem:$0x110]  }
0xd1: {  	v2 =	vld [tilespmem:$0x120]  }
0xd2: {  	v3 =	vld [tilespmem:$0x130]  }
0xd3: {  	v4 =	vld [tilespmem:$0x140]  }
0xd4: {  	[tilespmem:$0x4100] =	vst v0;
	v0 =	vld [tilespmem:$0x150]  }
0xd5: {  	[tilespmem:$0x4110] =	vst v1;
	v1 =	vld [tilespmem:$0x160]  }
0xd6: {  	[tilespmem:$0x4120] =	vst v2;
	v2 =	vld [tilespmem:$0x170]  }
0xd7: {  	[tilespmem:$0x4130] =	vst v3;
	v3 =	vld [tilespmem:$0x500]  }
0xd8: {  	[tilespmem:$0x4140] =	vst v4;
	v4 =	vld [tilespmem:$0x510]  }
0xd9: {  	[tilespmem:$0x4150] =	vst v0;
	v0 =	vld [tilespmem:$0x520]  }
0xda: {  	[tilespmem:$0x4160] =	vst v1;
	v1 =	vld [tilespmem:$0x530]  }
0xdb: {  	[tilespmem:$0x4170] =	vst v2;
	v2 =	vld [tilespmem:$0x538]  }
0xdc: {  	[tilespmem:$0x4300] =	vst v3  }
0xdd: {  	[tilespmem:$0x4310] =	vst v4  }
0xde: {  	[tilespmem:$0x4320] =	vst v0  }
0xdf: {  	[tilespmem:$0x4330] =	vst v1  }
0xe0: {  	s15 =	simm.s32 $0x4100;
	s25 =	simm.s32 $0x10C00;
	[tilespmem:$0x4338] =	vst v2  }
0xe1: {  	[tilespmem:s25], [sflag:$0x3] =	stream.indirect.gather [hbm4b:s4+s14], $0x80, s15, s14, $0xb8;
	[tilespmem:$0x1D400] =	vst v63  }
0xe2: {  	s28 =	simm.s32 $0x4300;
	s29 =	simm.s32 $0x14C00  }
0xe3: {  	[tilespmem:s29], [sflag:$0x3] =	stream.indirect.gather [hbm4b:s4+s17], $0x80, s28, s17, $0xb8;
	[tilespmem:$0x1D400] =	vst v63  }
0xe4: {  	_ =	swait.ge [sflag:s30], $0x4000  }
0xe5: {  	[sflag:s30] =	ssyncset.done $0x0  }
0xe6: {  	[sflag:s30] =	ssyncadd.s32 $0xFFFFC000  }
0xe7: {  	_ =	swait.ge [sflag:s30], $0x2400  }
0xe8: {  	[sflag:s30] =	ssyncset.done $0x0  }
0xe9: {  	s20 =	simm.s32 $0x0;
	[sflag:s30] =	ssyncadd.s32 $0xFFFFDC00  }
0xea: {  	v0 =	vld [tilespmem:s20+$0xABB0]  }
0xeb: {  	v1 =	vld [tilespmem:s20+$0x173B0]  }
0xec: {  	v2 =	vld [tilespmem:s20+$0xA800]  }
0xed: {  	v3 =	vld [tilespmem:s20+$0x17000]  }
0xee: {  	v4 =	vld [tilespmem:s20+$0xA810]  }
0xef: {  	v5 =	vld [tilespmem:s20+$0x17010]  }
0xf0: {  	v6 =	vld [tilespmem:s20+$0xA820]  }
0xf1: {  	v7 =	vld [tilespmem:s20+$0x17020]  }
0xf2: {  	v48 =	vld [tilespmem:s20+$0xA830]  }
0xf3: {  	v49 =	vld [tilespmem:s20+$0x17030]  }
0xf4: {  	v50 =	vld [tilespmem:s20+$0xA880]  }
0xf5: {  	v11 =	vld [tilespmem:s20+$0x17080]  }
0xf6: {  	v12 =	vld [tilespmem:s20+$0xA890]  }
0xf7: {  	v13 =	vld [tilespmem:s20+$0x17090]  }
0xf8: {  	v14 =	vld [tilespmem:s20+$0xA8A0]  }
0xf9: {  	v15 =	vld [tilespmem:s20+$0x170A0]  }
0xfa: {  	v16 =	vld [tilespmem:s20+$0xA8B0]  }
0xfb: {  	v17 =	vld [tilespmem:s20+$0x170B0]  }
0xfc: {  	v18 =	vld [tilespmem:s20+$0xA900]  }
0xfd: {  	v19 =	vld [tilespmem:s20+$0x17100]  }
0xfe: {  	v20 =	vld [tilespmem:s20+$0xA910]  }
0xff: {  	v21 =	vld [tilespmem:s20+$0x17110]  }
0x100: {  	v22 =	vld [tilespmem:s20+$0xA920]  }
0x101: {  	v23 =	vld [tilespmem:s20+$0x17120]  }
0x102: {  	v24 =	vld [tilespmem:s20+$0xA930]  }
0x103: {  	v25 =	vld [tilespmem:s20+$0x17130]  }
0x104: {  	v26 =	vld [tilespmem:s20+$0xA980]  }
0x105: {  	v27 =	vld [tilespmem:s20+$0x17180]  }
0x106: {  	v28 =	vld [tilespmem:s20+$0xA990]  }
0x107: {  	v29 =	vld [tilespmem:s20+$0x17190]  }
0x108: {  	v30 =	vld [tilespmem:s20+$0xA9A0]  }
0x109: {  	v31 =	vld [tilespmem:s20+$0x171A0]  }
0x10a: {  	v32 =	vld [tilespmem:s20+$0xA9B0]  }
0x10b: {  	v51 =	vld [tilespmem:s20+$0x17220];
	v0 =	vadd.f32 v1, v0  }
0x10c: {  	v52 =	vld [tilespmem:s20+$0xAA30];
	v2 =	vadd.f32 v3, v2  }
0x10d: {  	v53 =	vld [tilespmem:s20+$0x17230];
	[tilespmem:s20+$0xABB0] =	vst v0;
	v0 =	vadd.f32 v5, v4  }
0x10e: {  	v54 =	vld [tilespmem:s20+$0xAA80];
	[tilespmem:s20+$0xA800] =	vst v2;
	v2 =	vadd.f32 v7, v6  }
0x10f: {  	v55 =	vld [tilespmem:s20+$0x17280];
	[tilespmem:s20+$0xA810] =	vst v0;
	v0 =	vadd.f32 v49, v48  }
0x110: {  	v56 =	vld [tilespmem:s20+$0xAA90];
	[tilespmem:s20+$0xA820] =	vst v2;
	v2 =	vadd.f32 v11, v50  }
0x111: {  	v57 =	vld [tilespmem:s20+$0x17290];
	[tilespmem:s20+$0xA830] =	vst v0;
	v0 =	vadd.f32 v13, v12  }
0x112: {  	v58 =	vld [tilespmem:s20+$0xAAA0];
	[tilespmem:s20+$0xA880] =	vst v2;
	v2 =	vadd.f32 v15, v14  }
0x113: {  	v59 =	vld [tilespmem:s20+$0x172A0];
	[tilespmem:s20+$0xA890] =	vst v0;
	v0 =	vadd.f32 v17, v16  }
0x114: {  	v1 =	vld [tilespmem:s20+$0x171B0];
	[tilespmem:s20+$0xA8A0] =	vst v2;
	v2 =	vadd.f32 v19, v18  }
0x115: {  	v3 =	vld [tilespmem:s20+$0xAA00];
	[tilespmem:s20+$0xA8B0] =	vst v0;
	v0 =	vadd.f32 v21, v20  }
0x116: {  	v4 =	vld [tilespmem:s20+$0x17200];
	[tilespmem:s20+$0xA900] =	vst v2;
	v2 =	vadd.f32 v23, v22  }
0x117: {  	v5 =	vld [tilespmem:s20+$0xAA10];
	[tilespmem:s20+$0xA910] =	vst v0;
	v0 =	vadd.f32 v25, v24  }
0x118: {  	v6 =	vld [tilespmem:s20+$0x17210];
	[tilespmem:s20+$0xA920] =	vst v2;
	v2 =	vadd.f32 v27, v26  }
0x119: {  	v7 =	vld [tilespmem:s20+$0xAA20];
	[tilespmem:s20+$0xA930] =	vst v0;
	v0 =	vadd.f32 v29, v28  }
0x11a: {  	v60 =	vld [tilespmem:s20+$0xAAB0];
	[tilespmem:s20+$0xA980] =	vst v2;
	v2 =	vadd.f32 v31, v30  }
0x11b: {  	v61 =	vld [tilespmem:s20+$0x17320];
	[tilespmem:s20+$0xA990] =	vst v0;
	v0 =	vadd.f32 v1, v32  }
0x11c: {  	v1 =	vld [tilespmem:s20+$0x172B0];
	[tilespmem:s20+$0xA9A0] =	vst v2;
	v2 =	vadd.f32 v4, v3  }
0x11d: {  	v3 =	vld [tilespmem:s20+$0xAB00];
	[tilespmem:s20+$0xA9B0] =	vst v0;
	v0 =	vadd.f32 v6, v5  }
0x11e: {  	v4 =	vld [tilespmem:s20+$0x17300];
	[tilespmem:s20+$0xAA00] =	vst v2;
	v2 =	vadd.f32 v51, v7  }
0x11f: {  	v5 =	vld [tilespmem:s20+$0xAB10];
	[tilespmem:s20+$0xAA10] =	vst v0;
	v0 =	vadd.f32 v53, v52  }
0x120: {  	v6 =	vld [tilespmem:s20+$0x17310];
	[tilespmem:s20+$0xAA20] =	vst v2;
	v2 =	vadd.f32 v55, v54  }
0x121: {  	v7 =	vld [tilespmem:s20+$0xAB20];
	v1 =	vadd.f32 v1, v60;
	[tilespmem:s20+$0xAA30] =	vst v0  }
0x122: {  	v62 =	vld [tilespmem:s20+$0xAB30];
	v0 =	vadd.f32 v57, v56;
	[tilespmem:s20+$0xAA80] =	vst v2  }
0x123: {  	v63 =	vld [tilespmem:s20+$0x17330];
	v2 =	vadd.f32 v59, v58;
	[tilespmem:s20+$0xAAB0] =	vst v1  }
0x124: {  	v3 =	vadd.f32 v4, v3;
	[tilespmem:s20+$0xAA90] =	vst v0;
	v0 =	vld [tilespmem:s20+$0xAB80]  }
0x125: {  	v4 =	vadd.f32 v6, v5;
	[tilespmem:s20+$0xAAA0] =	vst v2;
	v2 =	vld [tilespmem:s20+$0x17380]  }
0x126: {  	[tilespmem:s20+$0xAB00] =	vst v3;
	v5 =	vadd.f32 v61, v7;
	v1 =	vld [tilespmem:s20+$0xAB90]  }
0x127: {  	v3 =	vld [tilespmem:s20+$0x17390];
	[tilespmem:s20+$0xAB10] =	vst v4  }
0x128: {  	s22 =	simm.s32 $0x0;
	s23 =	simm.s32 $0x1000;
	[tilespmem:s20+$0xAB20] =	vst v5;
	v5 =	vadd.f32 v63, v62;
	v4 =	vld [tilespmem:s20+$0xABA0]  }
.LBB2_4:
0x129: {  	s25 =	sshra.s32 s23, $0x2;
	v6 =	vld [tilespmem:s20+$0x173A0]  }
0x12a: {  	s22 =	sadd.s32 $0x8, s22;
	v7 =	vld [tilespmem:s25+$0xABB0];
	[tilespmem:s20+$0xAB30] =	vst v5;
	v0 =	vadd.f32 v2, v0  }
0x12b: {  	p0 =	slt.u32 s22, $0xC0;
	v2 =	vld [tilespmem:s25+$0x173B0]  }
0x12c: {  	v5 =	vld [tilespmem:s25+$0xA800];
	[tilespmem:s20+$0xAB80] =	vst v0;
	v0 =	vadd.f32 v3, v1  }
0x12d: {  	v1 =	vld [tilespmem:s25+$0x17000]  }
0x12e: {  	v3 =	vld [tilespmem:s25+$0xA810];
	[tilespmem:s20+$0xAB90] =	vst v0;
	v0 =	vadd.f32 v6, v4  }
0x12f: {  	v4 =	vld [tilespmem:s25+$0x17010]  }
0x130: {  	v6 =	vld [tilespmem:s25+$0xA820];
	v2 =	vadd.f32 v2, v7;
	[tilespmem:s20+$0xABA0] =	vst v0;
	s20 =	smov.u32 s25  }
0x131: {  	v0 =	vld [tilespmem:s20+$0x17020]  }
0x132: {  	v1 =	vadd.f32 v1, v5;
	v5 =	vld [tilespmem:s20+$0xA830];
	[tilespmem:s20+$0xABB0] =	vst v2  }
0x133: {  	v2 =	vld [tilespmem:s20+$0x17030]  }
0x134: {  	[tilespmem:s20+$0xA800] =	vst v1;
	v1 =	vadd.f32 v4, v3;
	v3 =	vld [tilespmem:s20+$0xA880]  }
0x135: {  	v4 =	vld [tilespmem:s20+$0x17080]  }
0x136: {  	[tilespmem:s20+$0xA810] =	vst v1;
	v0 =	vadd.f32 v0, v6;
	v1 =	vld [tilespmem:s20+$0xA890]  }
0x137: {  	v6 =	vld [tilespmem:s20+$0x17090]  }
0x138: {  	[tilespmem:s20+$0xA820] =	vst v0;
	v0 =	vadd.f32 v2, v5;
	v2 =	vld [tilespmem:s20+$0xA8A0]  }
0x139: {  	v5 =	vld [tilespmem:s20+$0x170A0]  }
0x13a: {  	[tilespmem:s20+$0xA830] =	vst v0;
	v0 =	vadd.f32 v4, v3;
	v3 =	vld [tilespmem:s20+$0xA8B0]  }
0x13b: {  	v4 =	vld [tilespmem:s20+$0x170B0]  }
0x13c: {  	[tilespmem:s20+$0xA880] =	vst v0;
	v0 =	vadd.f32 v6, v1;
	v1 =	vld [tilespmem:s20+$0xA900]  }
0x13d: {  	v6 =	vld [tilespmem:s20+$0x17100]  }
0x13e: {  	[tilespmem:s20+$0xA890] =	vst v0;
	v0 =	vadd.f32 v5, v2;
	v2 =	vld [tilespmem:s20+$0xA910]  }
0x13f: {  	v5 =	vld [tilespmem:s20+$0x17110]  }
0x140: {  	[tilespmem:s20+$0xA8A0] =	vst v0;
	v0 =	vadd.f32 v4, v3;
	v3 =	vld [tilespmem:s20+$0xA920]  }
0x141: {  	v4 =	vld [tilespmem:s20+$0x17120]  }
0x142: {  	[tilespmem:s20+$0xA8B0] =	vst v0;
	v0 =	vadd.f32 v6, v1;
	v1 =	vld [tilespmem:s20+$0xA930]  }
0x143: {  	v6 =	vld [tilespmem:s20+$0x17130]  }
0x144: {  	[tilespmem:s20+$0xA900] =	vst v0;
	v0 =	vadd.f32 v5, v2;
	v2 =	vld [tilespmem:s20+$0xA980]  }
0x145: {  	v5 =	vld [tilespmem:s20+$0x17180]  }
0x146: {  	[tilespmem:s20+$0xA910] =	vst v0;
	v0 =	vadd.f32 v4, v3;
	v3 =	vld [tilespmem:s20+$0xA990]  }
0x147: {  	v4 =	vld [tilespmem:s20+$0x17190]  }
0x148: {  	[tilespmem:s20+$0xA920] =	vst v0;
	v0 =	vadd.f32 v6, v1;
	v1 =	vld [tilespmem:s20+$0xA9A0]  }
0x149: {  	v6 =	vld [tilespmem:s20+$0x171A0]  }
0x14a: {  	[tilespmem:s20+$0xA930] =	vst v0;
	v0 =	vadd.f32 v5, v2;
	v2 =	vld [tilespmem:s20+$0xA9B0]  }
0x14b: {  	v5 =	vld [tilespmem:s20+$0x171B0]  }
0x14c: {  	[tilespmem:s20+$0xA980] =	vst v0;
	v0 =	vadd.f32 v4, v3;
	v3 =	vld [tilespmem:s20+$0xAA00]  }
0x14d: {  	v4 =	vld [tilespmem:s20+$0x17200]  }
0x14e: {  	[tilespmem:s20+$0xA990] =	vst v0;
	v0 =	vadd.f32 v6, v1;
	v1 =	vld [tilespmem:s20+$0xAA10]  }
0x14f: {  	v6 =	vld [tilespmem:s20+$0x17210]  }
0x150: {  	[tilespmem:s20+$0xA9A0] =	vst v0;
	v0 =	vadd.f32 v5, v2;
	v2 =	vld [tilespmem:s20+$0xAA20]  }
0x151: {  	v5 =	vld [tilespmem:s20+$0x17220]  }
0x152: {  	[tilespmem:s20+$0xA9B0] =	vst v0;
	v0 =	vadd.f32 v4, v3;
	v3 =	vld [tilespmem:s20+$0xAA30]  }
0x153: {  	v4 =	vld [tilespmem:s20+$0x17230]  }
0x154: {  	[tilespmem:s20+$0xAA00] =	vst v0;
	v0 =	vadd.f32 v6, v1;
	v1 =	vld [tilespmem:s20+$0xAA80]  }
0x155: {  	v6 =	vld [tilespmem:s20+$0x17280]  }
0x156: {  	[tilespmem:s20+$0xAA10] =	vst v0;
	v0 =	vadd.f32 v5, v2;
	v2 =	vld [tilespmem:s20+$0xAA90]  }
0x157: {  	v5 =	vld [tilespmem:s20+$0x17290]  }
0x158: {  	[tilespmem:s20+$0xAA20] =	vst v0;
	v0 =	vadd.f32 v4, v3;
	v3 =	vld [tilespmem:s20+$0xAAA0]  }
0x159: {  	v4 =	vld [tilespmem:s20+$0x172A0]  }
0x15a: {  	[tilespmem:s20+$0xAA30] =	vst v0;
	v0 =	vadd.f32 v6, v1;
	v1 =	vld [tilespmem:s20+$0xAAB0]  }
0x15b: {  	v6 =	vld [tilespmem:s20+$0x172B0]  }
0x15c: {  	[tilespmem:s20+$0xAA80] =	vst v0;
	v0 =	vadd.f32 v5, v2;
	v2 =	vld [tilespmem:s20+$0xAB00]  }
0x15d: {  	v5 =	vld [tilespmem:s20+$0x17300]  }
0x15e: {  	[tilespmem:s20+$0xAA90] =	vst v0;
	v0 =	vadd.f32 v4, v3;
	v3 =	vld [tilespmem:s20+$0xAB10]  }
0x15f: {  	v4 =	vld [tilespmem:s20+$0x17310]  }
0x160: {  	[tilespmem:s20+$0xAAA0] =	vst v0;
	v0 =	vadd.f32 v6, v1;
	v1 =	vld [tilespmem:s20+$0xAB20]  }
0x161: {  	v6 =	vld [tilespmem:s20+$0x17320]  }
0x162: {  	[tilespmem:s20+$0xAAB0] =	vst v0;
	v0 =	vadd.f32 v5, v2;
	v5 =	vld [tilespmem:s20+$0xAB30]  }
0x163: {  	v7 =	vld [tilespmem:s20+$0x17330]  }
.Ltmp1:
0x164: {  	[tilespmem:s20+$0xAB00] =	vst v0;
	v3 =	vadd.f32 v4, v3;
	v0 =	vld [tilespmem:s20+$0xAB80];
	(pc) =	sbr.rel @p0 .LBB2_4-.Ltmp1, $4  }
0x165: {  	v2 =	vld [tilespmem:s20+$0x17380]  }
0x166: {  	[tilespmem:s20+$0xAB10] =	vst v3;
	v4 =	vadd.f32 v6, v1;
	v1 =	vld [tilespmem:s20+$0xAB90]  }
0x167: {  	v3 =	vld [tilespmem:s20+$0x17390]  }
0x168: {  	s23 =	sadd.s32 $0x1000, s23;
	[tilespmem:s20+$0xAB20] =	vst v4;
	v5 =	vadd.f32 v7, v5;
	v4 =	vld [tilespmem:s20+$0xABA0]  }
0x169: {  	v6 =	vld [tilespmem:s20+$0x173A0];
	_ =	sdelay $0x2  }
0x16a: {  	v0 =	vadd.f32 v2, v0  }
0x16b: {  	[tilespmem:s20+$0xAB30] =	vst v5;
	v1 =	vadd.f32 v3, v1  }
0x16c: {  	[tilespmem:s20+$0xAB80] =	vst v0;
	v50 =	vadd.f32 v6, v4  }
0x16d: {  	[tilespmem:s20+$0xAB90] =	vst v1  }
0x16e: {  	[tilespmem:s20+$0xABA0] =	vst v50  }
0x16f: {  	[hbm4b:s9+s2] =	stream.linear.scatter [tilespmem:s21], [sflag:$0x5], $0x6400, $0x38;
	[tilespmem:$0x1D400] =	vst v63  }
0x170: {  	_ =	swait.ge [sflag:s31], $0x6400  }
0x171: {  	[sflag:s31] =	ssyncset.done $0x0  }
0x172: {  	[sflag:s31] =	ssyncadd.s32 $0xFFFF9C00  }
0x173: {  	v51 =	vld [tilespmem:$0x180]  }
0x174: {  	v52 =	vld [tilespmem:$0x190]  }
0x175: {  	v53 =	vld [tilespmem:$0x1A0]  }
0x176: {  	v54 =	vld [tilespmem:$0x1B0]  }
0x177: {  	v55 =	vld [tilespmem:$0x1C0]  }
0x178: {  	v56 =	vld [tilespmem:$0x1D0];
	[tilespmem:$0x4000] =	vst v51  }
0x179: {  	v57 =	vld [tilespmem:$0x1E0];
	[tilespmem:$0x4010] =	vst v52  }
0x17a: {  	v58 =	vld [tilespmem:$0x1F0];
	[tilespmem:$0x4020] =	vst v53  }
0x17b: {  	v59 =	vld [tilespmem:$0x580];
	[tilespmem:$0x4030] =	vst v54  }
0x17c: {  	v60 =	vld [tilespmem:$0x590];
	[tilespmem:$0x4040] =	vst v55  }
0x17d: {  	v61 =	vld [tilespmem:$0x5A0];
	[tilespmem:$0x4050] =	vst v56  }
0x17e: {  	v62 =	vld [tilespmem:$0x5B0];
	[tilespmem:$0x4060] =	vst v57  }
0x17f: {  	v63 =	vld [tilespmem:$0x5B8];
	[tilespmem:$0x4070] =	vst v58  }
0x180: {  	[tilespmem:$0x4200] =	vst v59  }
0x181: {  	[tilespmem:$0x4210] =	vst v60  }
0x182: {  	[tilespmem:$0x4220] =	vst v61  }
0x183: {  	[tilespmem:$0x4230] =	vst v62  }
0x184: {  	[tilespmem:$0x4238] =	vst v63  }
0x185: {  	[tilespmem:s16], [sflag:$0x1] =	stream.indirect.gather [hbm4b:s4+s14], $0x80, s26, s14, $0xb8;
	[tilespmem:$0x1D400] =	vst v63  }
0x186: {  	s22 =	simm.s32 $0x10FB0;
	s20 =	simm.s32 $0x2  }
0x187: {  	[tilespmem:s19], [sflag:$0x1] =	stream.indirect.gather [hbm4b:s4+s17], $0x80, s18, s17, $0xb8;
	[tilespmem:$0x1D400] =	vst v63  }
.LBB2_6:
0x188: {  	p0 =	sne.s32 s20, $0x3E  }
0x189: {  	s25 =	smul.u32 $0xAB, s20;
	s23 =	simm.s32 @!p0 $0x0  }
0x18a: {  	[tilespmem:s23], [sflag:$0x7] =	stream.linear.gather @!p0 [hbm4b:s10+s23], $0x4000, $0x38;
	[tilespmem:$0x1D400] =	vst v63  }
0x18b: {  	s25 =	sshrl.u32 s25, $0x9  }
0x18c: {  	s23 =	sand.u32 $0x7F, s25  }
0x18d: {  	s23 =	smul.u32 $0x3, s23  }
0x18e: {  	s25 =	simm.s32 @!p0 $0x7  }
0x18f: {  	_ =	swait.ge @!p0 [sflag:s25], $0x4000;
	s23 =	ssub.s32 s20, s23  }
0x190: {  	[sflag:s25] =	ssyncset.done @!p0 $0x0;
	s23 =	sand.u32 $0xFF, s23  }
0x191: {  	s26 =	smulhi.u32 $0xAAAAAAAB, s20;
	[sflag:s25] =	ssyncadd.s32 @!p0 $0xFFFFC000;
	s28 =	sadd.s32 $0x1, s23  }
0x192: {  	_ =	swait.ge [sflag:s28], $0x4000  }
0x193: {  	s26 =	sshrl.u32 s26, $0x1;
	[sflag:s28] =	ssyncset.done $0x0  }
0x194: {  	s25 =	smul.u32 $0xFFFB5000, s26;
	[sflag:s28] =	ssyncadd.s32 $0xFFFFC000  }
0x195: {  	_ =	swait.ge [sflag:s28], $0x2400  }
0x196: {  	s25 =	sshra.s32 s25, $0x2;
	[sflag:s28] =	ssyncset.done $0x0  }
0x197: {  	s25 =	sadd.s32 s25, s22;
	[sflag:s28] =	ssyncadd.s32 $0xFFFFDC00  }
0x198: {  	s26 =	simm.s32 $0x17200;
	v0 =	vld [tilespmem:s25+$0xFFFFFFD0]  }
0x199: {  	v1 =	vld [tilespmem:s26+$0x180]  }
0x19a: {  	v2 =	vld [tilespmem:s26+$0xFFFFFE00]  }
0x19b: {  	v3 =	vld [tilespmem:s25+$0xFFFFFCD0]  }
0x19c: {  	v4 =	vld [tilespmem:s25+$0xFFFFFD50]  }
0x19d: {  	v6 =	vld [tilespmem:s26+$0xFFFFFF00]  }
0x19e: {  	v7 =	vld [tilespmem:s25+$0xFFFFFDD0]  }
0x19f: {  	v8 =	vld [tilespmem:s26+$0xFFFFFF80]  }
0x1a0: {  	v9 =	vld [tilespmem:s25+$0xFFFFFE50]  }
0x1a1: {  	v10 =	vld [tilespmem:s26+$0x0]  }
0x1a2: {  	v11 =	vld [tilespmem:s26+$0x80]  }
0x1a3: {  	v60 =	vld [tilespmem:s25+$0xFFFFFDE0]  }
0x1a4: {  	v13 =	vld [tilespmem:s25+$0xFFFFFE60]  }
0x1a5: {  	v61 =	vld [tilespmem:s25+$0xFFFFFDF0]  }
0x1a6: {  	v62 =	vld [tilespmem:s25+$0xFFFFFEF0]  }
0x1a7: {  	v63 =	vld [tilespmem:s25+$0xFFFFFC80];
	v0 =	vadd.f32 v1, v0  }
0x1a8: {  	v1 =	vld [tilespmem:s26+$0xFFFFFE80]  }
0x1a9: {  	v4 =	vadd.f32 v6, v4;
	[tilespmem:s25+$0xFFFFFFD0] =	vst v0;
	v0 =	vld [tilespmem:s25+$0xFFFFFFE0]  }
0x1aa: {  	v5 =	vld [tilespmem:s26+$0x190]  }
0x1ab: {  	v6 =	vld [tilespmem:s26+$0x100];
	[tilespmem:s25+$0xFFFFFD50] =	vst v4;
	v4 =	vadd.f32 v10, v9  }
0x1ac: {  	v10 =	vld [tilespmem:s25+$0xFFFFFCE0]  }
0x1ad: {  	[tilespmem:s25+$0xFFFFFE50] =	vst v4;
	v1 =	vadd.f32 v1, v3;
	v3 =	vld [tilespmem:s25+$0xFFFFFF50]  }
0x1ae: {  	v9 =	vld [tilespmem:s26+$0x10]  }
0x1af: {  	[tilespmem:s25+$0xFFFFFCD0] =	vst v1;
	v0 =	vadd.f32 v5, v0;
	v5 =	vld [tilespmem:s25+$0xFFFFFED0]  }
0x1b0: {  	v1 =	vadd.f32 v8, v7;
	v8 =	vld [tilespmem:s26+$0xFFFFFE90]  }
0x1b1: {  	[tilespmem:s25+$0xFFFFFFE0] =	vst v0;
	v0 =	vld [tilespmem:s25+$0xFFFFFFF0]  }
0x1b2: {  	v12 =	vld [tilespmem:s26+$0x1A0]  }
0x1b3: {  	v7 =	vld [tilespmem:s25+$0xFFFFFC50]  }
0x1b4: {  	[tilespmem:s25+$0xFFFFFDD0] =	vst v1;
	v1 =	vld [tilespmem:s26+$0xFFFFFF10]  }
0x1b5: {  	v4 =	vld [tilespmem:s26+$0xFFFFFF90];
	v8 =	vadd.f32 v8, v10  }
0x1b6: {  	v5 =	vadd.f32 v11, v5;
	v11 =	vld [tilespmem:s25+$0xFFFFFD60]  }
0x1b7: {  	v10 =	vld [tilespmem:s25+$0xFFFFFF60];
	[tilespmem:s25+$0xFFFFFCE0] =	vst v8;
	v0 =	vadd.f32 v12, v0  }
0x1b8: {  	v8 =	vld [tilespmem:s26+$0xFFFFFEA0]  }
0x1b9: {  	[tilespmem:s25+$0xFFFFFFF0] =	vst v0;
	v0 =	vadd.f32 v2, v7;
	v7 =	vld [tilespmem:s25+$0x0]  }
0x1ba: {  	[tilespmem:s25+$0xFFFFFED0] =	vst v5;
	v2 =	vadd.f32 v6, v3;
	v5 =	vld [tilespmem:s26+$0x1B0]  }
0x1bb: {  	v1 =	vadd.f32 v1, v11;
	[tilespmem:s25+$0xFFFFFC50] =	vst v0;
	v0 =	vld [tilespmem:s26+$0x90]  }
0x1bc: {  	[tilespmem:s25+$0xFFFFFF50] =	vst v2;
	v2 =	vld [tilespmem:s25+$0xFFFFFC60]  }
0x1bd: {  	[tilespmem:s25+$0xFFFFFD60] =	vst v1;
	v1 =	vadd.f32 v9, v13;
	v3 =	vld [tilespmem:s26+$0xFFFFFE10]  }
0x1be: {  	v4 =	vadd.f32 v4, v60;
	v6 =	vld [tilespmem:s26+$0x110]  }
0x1bf: {  	v9 =	vld [tilespmem:s26+$0xFFFFFF20];
	[tilespmem:s25+$0xFFFFFE60] =	vst v1  }
0x1c0: {  	[tilespmem:s25+$0xFFFFFDE0] =	vst v4;
	v4 =	vld [tilespmem:s26+$0x20]  }
0x1c1: {  	v5 =	vadd.f32 v5, v7;
	v7 =	vld [tilespmem:s25+$0xFFFFFE80]  }
0x1c2: {  	v2 =	vadd.f32 v3, v2;
	v3 =	vld [tilespmem:s25+$0xFFFFFEE0]  }
0x1c3: {  	v1 =	vadd.f32 v6, v10;
	v6 =	vld [tilespmem:s25+$0xFFFFFCF0]  }
0x1c4: {  	[tilespmem:s25+$0xFFFFFC60] =	vst v2;
	v2 =	vld [tilespmem:s25+$0xFFFFFC70]  }
0x1c5: {  	v11 =	vld [tilespmem:s26+$0xFFFFFE20]  }
0x1c6: {  	v10 =	vld [tilespmem:s25+$0xFFFFFD70];
	[tilespmem:s25+$0x0] =	vst v5  }
0x1c7: {  	v5 =	vld [tilespmem:s25+$0xFFFFFF80];
	[tilespmem:s25+$0xFFFFFF60] =	vst v1;
	v0 =	vadd.f32 v0, v3  }
0x1c8: {  	v1 =	vld [tilespmem:s26+$0x120]  }
0x1c9: {  	v3 =	vld [tilespmem:s26+$0xFFFFFFA0];
	[tilespmem:s25+$0xFFFFFEE0] =	vst v0  }
0x1ca: {  	v0 =	vld [tilespmem:s26+$0xA0];
	v2 =	vadd.f32 v11, v2  }
0x1cb: {  	v11 =	vld [tilespmem:s25+$0xFFFFFE70]  }
0x1cc: {  	[tilespmem:s25+$0xFFFFFC70] =	vst v2;
	v2 =	vadd.f32 v8, v6;
	v6 =	vld [tilespmem:s25+$0xFFFFFF70]  }
0x1cd: {  	v8 =	vadd.f32 v9, v10;
	v9 =	vld [tilespmem:s25+$0xFFFFFD80]  }
0x1ce: {  	v10 =	vld [tilespmem:s26+$0xFFFFFE30];
	[tilespmem:s25+$0xFFFFFCF0] =	vst v2  }
0x1cf: {  	[tilespmem:s25+$0xFFFFFD70] =	vst v8;
	v8 =	vld [tilespmem:s25+$0xFFFFFE00]  }
0x1d0: {  	v2 =	vadd.f32 v3, v61;
	v14 =	vld [tilespmem:s26+$0xFFFFFEB0]  }
0x1d1: {  	v3 =	vadd.f32 v4, v11;
	v4 =	vld [tilespmem:s26+$0xFFFFFF30]  }
0x1d2: {  	v0 =	vadd.f32 v0, v62;
	v11 =	vld [tilespmem:s25+$0xFFFFFD00];
	[tilespmem:s25+$0xFFFFFDF0] =	vst v2  }
0x1d3: {  	v2 =	vld [tilespmem:s26+$0xFFFFFFB0];
	[tilespmem:s25+$0xFFFFFE70] =	vst v3  }
0x1d4: {  	v6 =	vadd.f32 v1, v6;
	[tilespmem:s25+$0xFFFFFEF0] =	vst v0;
	v3 =	vld [tilespmem:s26+$0x30]  }
0x1d5: {  	v1 =	vld [tilespmem:s26+$0xB0];
	v10 =	vadd.f32 v10, v63  }
0x1d6: {  	[tilespmem:s25+$0xFFFFFF70] =	vst v6;
	v6 =	vld [tilespmem:s25+$0xFFFFFF00]  }
0x1d7: {  	s29 =	sadd.s32 $0x400, s25;
	s28 =	simm.s32 $0x0;
	v0 =	vld [tilespmem:s26+$0x130];
	[tilespmem:s25+$0xFFFFFC80] =	vst v10;
	v10 =	vadd.f32 v14, v11  }
.LBB2_7:
0x1d8: {  	v11 =	vld [tilespmem:s29+$0xFFFFFFD0];
	v4 =	vadd.f32 v4, v9;
	s26 =	sadd.s32 $0x400, s26  }
0x1d9: {  	s28 =	sadd.s32 $0x8, s28;
	v9 =	vld [tilespmem:s26+$0x180];
	[tilespmem:s25+$0xFFFFFD00] =	vst v10;
	v2 =	vadd.f32 v2, v8  }
0x1da: {  	p0 =	slt.u32 s28, $0xC0;
	v8 =	vld [tilespmem:s26+$0xFFFFFE00];
	[tilespmem:s25+$0xFFFFFD80] =	vst v4;
	v3 =	vadd.f32 v3, v7  }
0x1db: {  	v4 =	vld [tilespmem:s29+$0xFFFFFCD0];
	[tilespmem:s25+$0xFFFFFE00] =	vst v2;
	v1 =	vadd.f32 v1, v6  }
0x1dc: {  	v2 =	vld [tilespmem:s26+$0xFFFFFE80];
	[tilespmem:s25+$0xFFFFFE80] =	vst v3;
	v0 =	vadd.f32 v0, v5  }
0x1dd: {  	v3 =	vld [tilespmem:s29+$0xFFFFFD50];
	[tilespmem:s25+$0xFFFFFF00] =	vst v1  }
0x1de: {  	v1 =	vld [tilespmem:s26+$0xFFFFFF00];
	v5 =	vadd.f32 v9, v11;
	[tilespmem:s25+$0xFFFFFF80] =	vst v0;
	s25 =	smov.u32 s29  }
0x1df: {  	v0 =	vld [tilespmem:s29+$0xFFFFFDD0]  }
0x1e0: {  	[tilespmem:s29+$0xFFFFFFD0] =	vst v5;
	v5 =	vld [tilespmem:s29+$0xFFFFFFE0]  }
0x1e1: {  	v2 =	vadd.f32 v2, v4;
	v4 =	vld [tilespmem:s26+$0x190]  }
0x1e2: {  	v6 =	vld [tilespmem:s26+$0xFFFFFF80]  }
0x1e3: {  	[tilespmem:s29+$0xFFFFFCD0] =	vst v2;
	v1 =	vadd.f32 v1, v3;
	v2 =	vld [tilespmem:s29+$0xFFFFFE50]  }
0x1e4: {  	v3 =	vld [tilespmem:s26+$0x0]  }
0x1e5: {  	[tilespmem:s29+$0xFFFFFD50] =	vst v1;
	v1 =	vld [tilespmem:s29+$0xFFFFFED0]  }
0x1e6: {  	v7 =	vld [tilespmem:s26+$0x80];
	v4 =	vadd.f32 v4, v5  }
0x1e7: {  	v0 =	vadd.f32 v6, v0;
	v5 =	vld [tilespmem:s29+$0xFFFFFF50]  }
0x1e8: {  	[tilespmem:s29+$0xFFFFFFE0] =	vst v4;
	v4 =	vld [tilespmem:s29+$0xFFFFFFF0]  }
0x1e9: {  	[tilespmem:s29+$0xFFFFFDD0] =	vst v0;
	v0 =	vadd.f32 v3, v2;
	v2 =	vld [tilespmem:s26+$0x1A0]  }
0x1ea: {  	v3 =	vld [tilespmem:s26+$0x100]  }
0x1eb: {  	v6 =	vld [tilespmem:s29+$0xFFFFFC50];
	[tilespmem:s29+$0xFFFFFE50] =	vst v0;
	v0 =	vadd.f32 v7, v1  }
0x1ec: {  	v1 =	vld [tilespmem:s26+$0xFFFFFE90]  }
0x1ed: {  	v7 =	vld [tilespmem:s26+$0xFFFFFF10];
	[tilespmem:s29+$0xFFFFFED0] =	vst v0  }
0x1ee: {  	v0 =	vld [tilespmem:s26+$0xFFFFFF90];
	v2 =	vadd.f32 v2, v4  }
0x1ef: {  	v4 =	vld [tilespmem:s26+$0x10];
	v3 =	vadd.f32 v3, v5  }
0x1f0: {  	v5 =	vadd.f32 v8, v6;
	[tilespmem:s29+$0xFFFFFFF0] =	vst v2;
	v2 =	vld [tilespmem:s29+$0x0]  }
0x1f1: {  	[tilespmem:s29+$0xFFFFFF50] =	vst v3;
	v3 =	vld [tilespmem:s26+$0x1B0]  }
0x1f2: {  	[tilespmem:s29+$0xFFFFFC50] =	vst v5;
	v5 =	vld [tilespmem:s26+$0x90]  }
0x1f3: {  	v6 =	vld [tilespmem:s26+$0xFFFFFE10]  }
0x1f4: {  	v8 =	vld [tilespmem:s26+$0x110]  }
0x1f5: {  	v9 =	vld [tilespmem:s29+$0xFFFFFC60]  }
0x1f6: {  	v10 =	vld [tilespmem:s29+$0xFFFFFCE0];
	v2 =	vadd.f32 v3, v2  }
0x1f7: {  	v3 =	vld [tilespmem:s29+$0xFFFFFD60]  }
0x1f8: {  	v11 =	vld [tilespmem:s29+$0xFFFFFDE0];
	[tilespmem:s29+$0x0] =	vst v2  }
0x1f9: {  	v2 =	vld [tilespmem:s29+$0xFFFFFE60]  }
0x1fa: {  	v6 =	vadd.f32 v6, v9;
	v9 =	vld [tilespmem:s29+$0xFFFFFEE0]  }
0x1fb: {  	v1 =	vadd.f32 v1, v10;
	v10 =	vld [tilespmem:s29+$0xFFFFFF60]  }
0x1fc: {  	[tilespmem:s29+$0xFFFFFC60] =	vst v6;
	v6 =	vld [tilespmem:s29+$0xFFFFFC70];
	v3 =	vadd.f32 v7, v3  }
0x1fd: {  	v7 =	vld [tilespmem:s26+$0xFFFFFE20];
	[tilespmem:s29+$0xFFFFFCE0] =	vst v1;
	v0 =	vadd.f32 v0, v11  }
0x1fe: {  	v1 =	vld [tilespmem:s26+$0xFFFFFEA0];
	[tilespmem:s29+$0xFFFFFD60] =	vst v3;
	v2 =	vadd.f32 v4, v2  }
0x1ff: {  	v3 =	vld [tilespmem:s26+$0xFFFFFF20];
	[tilespmem:s29+$0xFFFFFDE0] =	vst v0;
	v0 =	vadd.f32 v5, v9  }
0x200: {  	v4 =	vld [tilespmem:s26+$0xFFFFFFA0];
	[tilespmem:s29+$0xFFFFFE60] =	vst v2;
	v2 =	vadd.f32 v8, v10  }
0x201: {  	v5 =	vld [tilespmem:s26+$0x20];
	[tilespmem:s29+$0xFFFFFEE0] =	vst v0  }
0x202: {  	v0 =	vadd.f32 v7, v6;
	v6 =	vld [tilespmem:s26+$0xA0];
	[tilespmem:s29+$0xFFFFFF60] =	vst v2  }
0x203: {  	v7 =	vld [tilespmem:s26+$0x120]  }
0x204: {  	[tilespmem:s29+$0xFFFFFC70] =	vst v0;
	v0 =	vld [tilespmem:s29+$0xFFFFFCF0]  }
0x205: {  	v2 =	vld [tilespmem:s29+$0xFFFFFD70]  }
0x206: {  	v8 =	vld [tilespmem:s29+$0xFFFFFDF0]  }
0x207: {  	v9 =	vld [tilespmem:s29+$0xFFFFFE70]  }
0x208: {  	v10 =	vld [tilespmem:s29+$0xFFFFFEF0]  }
0x209: {  	v0 =	vadd.f32 v1, v0;
	v1 =	vld [tilespmem:s29+$0xFFFFFF70]  }
0x20a: {  	v11 =	vld [tilespmem:s26+$0xFFFFFE30];
	v2 =	vadd.f32 v3, v2  }
0x20b: {  	v12 =	vld [tilespmem:s29+$0xFFFFFC80];
	[tilespmem:s29+$0xFFFFFCF0] =	vst v0;
	v0 =	vadd.f32 v4, v8  }
0x20c: {  	v13 =	vld [tilespmem:s26+$0xFFFFFEB0];
	[tilespmem:s29+$0xFFFFFD70] =	vst v2;
	v3 =	vadd.f32 v5, v9  }
0x20d: {  	v4 =	vld [tilespmem:s26+$0xFFFFFF30];
	[tilespmem:s29+$0xFFFFFDF0] =	vst v0;
	v0 =	vadd.f32 v6, v10  }
0x20e: {  	v2 =	vld [tilespmem:s26+$0xFFFFFFB0];
	[tilespmem:s29+$0xFFFFFE70] =	vst v3;
	v5 =	vadd.f32 v7, v1  }
0x20f: {  	v3 =	vld [tilespmem:s26+$0x30];
	[tilespmem:s29+$0xFFFFFEF0] =	vst v0  }
0x210: {  	v6 =	vadd.f32 v11, v12;
	v1 =	vld [tilespmem:s26+$0xB0];
	[tilespmem:s29+$0xFFFFFF70] =	vst v5  }
0x211: {  	v0 =	vld [tilespmem:s26+$0x130]  }
0x212: {  	[tilespmem:s29+$0xFFFFFC80] =	vst v6;
	v5 =	vld [tilespmem:s29+$0xFFFFFD00]  }
.Ltmp2:
0x213: {  	v9 =	vld [tilespmem:s29+$0xFFFFFD80];
	(pc) =	sbr.rel @p0 .LBB2_7-.Ltmp2, $4  }
0x214: {  	v8 =	vld [tilespmem:s29+$0xFFFFFE00]  }
0x215: {  	v7 =	vld [tilespmem:s29+$0xFFFFFE80]  }
0x216: {  	v6 =	vld [tilespmem:s29+$0xFFFFFF00]  }
0x217: {  	s29 =	sadd.s32 $0x400, s29;
	v10 =	vadd.f32 v13, v5;
	v5 =	vld [tilespmem:s25+$0xFFFFFF80]  }
0x218: {  	v4 =	vadd.f32 v4, v9;
	s28 =	sadd.s32 $0x2, s20  }
0x219: {  	[tilespmem:s25+$0xFFFFFD00] =	vst v10;
	v2 =	vadd.f32 v2, v8;
	s15 =	smulhi.u32 $0xAAAAAAAB, s28  }
0x21a: {  	s26 =	smul.u32 $0x19000, s23;
	s29 =	sadd.s32 s3, s20;
	[tilespmem:s25+$0xFFFFFD80] =	vst v4;
	v3 =	vadd.f32 v3, v7  }
0x21b: {  	s29 =	smul.u32 $0xC80, s29;
	[tilespmem:s25+$0xFFFFFE00] =	vst v2;
	v1 =	vadd.f32 v1, v6;
	s15 =	sshrl.u32 s15, $0x1  }
0x21c: {  	[tilespmem:s25+$0xFFFFFE80] =	vst v3;
	v0 =	vadd.f32 v0, v5;
	s15 =	smul.u32 $0x3, s15  }
0x21d: {  	s23 =	sadd.s32 $0x4, s23;
	p0 =	slt.s32 s28, $0x7F;
	s26 =	sshrl.u32 s26, $0x2;
	[tilespmem:s25+$0xFFFFFF00] =	vst v1  }
0x21e: {  	s29 =	sadd.s32 s5, s29;
	s26 =	sadd.s32 $0x4400, s26;
	[tilespmem:s25+$0xFFFFFF80] =	vst v0;
	s15 =	ssub.s32 s28, s15  }
0x21f: {  	[hbm4b:s29+s2] =	stream.linear.scatter [tilespmem:s26], [sflag:s23], $0x6400, $0x38;
	[tilespmem:$0x1D400] =	vst v63  }
0x220: {  	s28 =	simm.s32 @!p0 $0x7F;
	s29 =	sor.u32 $0x4, s15  }
0x221: {  	s26 =	sshll.u32 s28, $0x8;
	s28 =	sshll.u32 s28, $0x7;
	_ =	swait.ge [sflag:s29], $0x6400  }
0x222: {  	s25 =	sand.u32 $0x3800, s26;
	s26 =	sand.u32 $0x380, s28;
	[sflag:s29] =	ssyncset.done $0x0  }
0x223: {  	s23 =	sor.u32 s26, s25;
	[sflag:s29] =	ssyncadd.s32 $0xFFFF9C00  }
0x224: {  	v63 =	vld [tilespmem:s23+$0x0];
	_ =	sdelay $0x2  }
0x225: {  	s25 =	sshll.u32 s15, $0x7  }
0x226: {  	s26 =	sor.u32 $0x4000, s25  }
0x227: {  	[tilespmem:s26+$0x0] =	vst v63  }
0x228: {  	v0 =	vld [tilespmem:s23+$0x10];
	_ =	sdelay $0x3  }
0x229: {  	s29 =	sor.u32 $0x4010, s25  }
0x22a: {  	[tilespmem:s29+$0x0] =	vst v0  }
0x22b: {  	v0 =	vld [tilespmem:s23+$0x20];
	_ =	sdelay $0x3  }
0x22c: {  	s29 =	sor.u32 $0x4020, s25  }
0x22d: {  	[tilespmem:s29+$0x0] =	vst v0  }
0x22e: {  	v0 =	vld [tilespmem:s23+$0x30];
	_ =	sdelay $0x3  }
0x22f: {  	s29 =	sor.u32 $0x4030, s25  }
0x230: {  	[tilespmem:s29+$0x0] =	vst v0  }
0x231: {  	v0 =	vld [tilespmem:s23+$0x40];
	_ =	sdelay $0x3  }
0x232: {  	s29 =	sor.u32 $0x4040, s25  }
0x233: {  	[tilespmem:s29+$0x0] =	vst v0  }
0x234: {  	v0 =	vld [tilespmem:s23+$0x50];
	_ =	sdelay $0x3  }
0x235: {  	s29 =	sor.u32 $0x4050, s25  }
0x236: {  	[tilespmem:s29+$0x0] =	vst v0  }
0x237: {  	v0 =	vld [tilespmem:s23+$0x60];
	_ =	sdelay $0x3  }
0x238: {  	s29 =	sor.u32 $0x4060, s25  }
0x239: {  	[tilespmem:s29+$0x0] =	vst v0  }
0x23a: {  	v0 =	vld [tilespmem:s23+$0x70];
	_ =	sdelay $0x3  }
0x23b: {  	s29 =	sor.u32 $0x4070, s25  }
0x23c: {  	[tilespmem:s29+$0x0] =	vst v0  }
0x23d: {  	v0 =	vld [tilespmem:s23+$0x400];
	_ =	sdelay $0x3  }
0x23e: {  	s28 =	sor.u32 $0x4200, s25  }
0x23f: {  	[tilespmem:s28+$0x0] =	vst v0  }
0x240: {  	v0 =	vld [tilespmem:s23+$0x410];
	_ =	sdelay $0x3  }
0x241: {  	s29 =	sor.u32 $0x4210, s25  }
0x242: {  	[tilespmem:s29+$0x0] =	vst v0  }
0x243: {  	v0 =	vld [tilespmem:s23+$0x420];
	_ =	sdelay $0x3  }
0x244: {  	s29 =	sor.u32 $0x4220, s25  }
0x245: {  	[tilespmem:s29+$0x0] =	vst v0  }
0x246: {  	v0 =	vld [tilespmem:s23+$0x430];
	_ =	sdelay $0x3  }
0x247: {  	s29 =	sor.u32 $0x4230, s25  }
0x248: {  	[tilespmem:s29+$0x0] =	vst v0  }
0x249: {  	v0 =	vld [tilespmem:s23+$0x438];
	_ =	sdelay $0x1  }
0x24a: {  	s20 =	sadd.s32 $0x1, s20;
	s29 =	smul.u32 $0x19000, s15  }
0x24b: {  	p0 =	sne.s32 s20, $0x80  }
.Ltmp3:
0x24c: {  	s25 =	sor.u32 $0x4238, s25;
	s23 =	sshrl.u32 s29, $0x2;
	(pc) =	sbr.rel @p0 .LBB2_6-.Ltmp3, $4  }
0x24d: {  	s15 =	sadd.s32 $0x1, s15;
	s29 =	sadd.s32 $0x4400, s23;
	[tilespmem:s25+$0x0] =	vst v0  }
0x24e: {  	[tilespmem:s29], [sflag:s15] =	stream.indirect.gather [hbm4b:s4+s14], $0x80, s26, s14, $0xb8;
	[tilespmem:$0x1D400] =	vst v63  }
0x24f: {  	s22 =	sadd.s32 $0x6400, s22;
	s23 =	sadd.s32 $0x8400, s23  }
0x250: {  	[tilespmem:s23], [sflag:s15] =	stream.indirect.gather [hbm4b:s4+s17], $0x80, s28, s17, $0xb8;
	[tilespmem:$0x1D400] =	vst v63  }
0x251: {  	_ =	swait.ge [sflag:s1], $0x4000  }
0x252: {  	[sflag:s1] =	ssyncset.done $0x0  }
0x253: {  	[sflag:s1] =	ssyncadd.s32 $0xFFFFC000  }
0x254: {  	_ =	swait.ge [sflag:s1], $0x2400  }
0x255: {  	[sflag:s1] =	ssyncset.done $0x0  }
0x256: {  	[sflag:s1] =	ssyncadd.s32 $0xFFFFDC00  }
0x257: {  	_ =	swait.ge [sflag:s24], $0x4000  }
0x258: {  	[sflag:s24] =	ssyncset.done $0x0  }
0x259: {  	s12 =	sadd.s32 $0x1, s12;
	[sflag:s24] =	ssyncadd.s32 $0xFFFFC000  }
0x25a: {  	p0 =	sne.s32 s12, s11;
	_ =	swait.ge [sflag:s24], $0x2400  }
.Ltmp4:
0x25b: {  	[sflag:s24] =	ssyncset.done $0x0;
	(pc) =	sbr.rel @p0 .LBB2_1-.Ltmp4, $4  }
0x25c: {  	[sflag:s24] =	ssyncadd.s32 $0xFFFFDC00  }
0x25d: {  	_ =	swait.ge [sflag:s0], $0x6400  }
0x25e: {  	[sflag:s0] =	ssyncset.done $0x0  }
0x25f: {  	s26 =	simm.s32 $0x4000;
	[sflag:s0] =	ssyncadd.s32 $0xFFFF9C00  }
0x260: {  	_ =	sfence.sel $0x180000  }
0x261: {  	[bflag:$0x0] =	sbarrier.arrive $0xFFFF  }
0x262: {  	_ =	strace $0x90000047  }
0x263: {  	s0 =	stileid.u32;
	[bflag:$0x2] =	sbarrier.arrive $0xFFFF  }
0x264: {  	p0 =	sne.s32 s0, $0x0;
	s0 =	rddreg [dreg:$0x1]  }
0x265: {  	s0 =	sadd.s32 @!p0 $0x100000, s0  }
0x266: {  	[sflag:s0] =	ssyncadd.tile.s32 @!p0 $0x1;
	_ =	shalt  }
.Lfunc_end2:
_tile_overlayer_lowered:
.L_overlay_start_2:
0x267: {  	(tag) =	ssettag $0x2  }
0x268: {  	s0 =	rddreg [dreg:$0x0];
	s2 =	stileid.u32  }
0x269: {  	s1 =	rddreg [dreg:$0x1];
	p0 =	sne.s32 s2, $0x0  }
0x26a: {  	s3 =	rddreg [dreg:$0x2];
	[bflag:$0x3] =	sbarrier.arrive $0xFFFF;
	s2 =	simm.s32 @!p0 $0x1C07  }
0x26b: {  	[timem:s3], [sflag:s2] =	dma.local @!p0 [hbm:s0], s1  }
0x26c: {  	s0 =	simm.s32 @!p0 $0x7  }
0x26d: {  	_ =	swait.ge @!p0 [sflag:s0], s1  }
0x26e: {  	s1 =	ssub.s32 @!p0 $0x0, s1;
	[sflag:s0] =	ssyncset.done @!p0 $0x0  }
0x26f: {  	[sflag:s0] =	ssyncadd.s32 @!p0 s1  }
0x270: {  	[bflag:$0x3] =	sbarrier.arrive $0xFFFF  }
0x271: {  	_ =	shalt  }

// kernel: sparse-core-data-format-call.cloned.1.call-start
scs
called_computation_lowered:
.L_overlay_start_0:
0x0: {  	s2 =	sld [smem:$0x3FD9]  }
0x1: {  	s3 =	sld [smem:$0x3FFE];
	_ =	sdelay $0x1  }
0x2: {  	s1 =	srdreg.scid  }
0x3: {  	s0 =	sand.u32 $0x1, s1  }
0x4: {  	s18 =	sshll.u32 s0, $0xA;
	s2 =	sadd.s32 s3, s2  }
0x5: {  	s2 =	sadd.s32 s2, s18  }
0x6: {  	[smem:$0x3FC5] =	sst s2  }
0x7: {  	_ = 	snop  }
0x8: {  	s2 =	sld [smem:$0x3FD0];
	(tm) =	ssettm $0x1  }
0x9: {  	s19 =	sld [smem:$0x3FFB];
	_ =	sdelay $0x3  }
0xa: {  	_ =	strace s19  }
0xb: {  	s3 =	sld [smem:$0x3FFC];
	_ =	sdelay $0x3  }
0xc: {  	_ =	strace s3  }
0xd: {  	s3 =	sld [smem:$0x3FFD];
	_ =	sdelay $0x3  }
0xe: {  	_ =	strace s3  }
0xf: {  	_ =	strace $0x8FFFFFFF  }
0x10: {  	s20 =	sld [smem:$0x3FDB];
	_ =	sdelay $0x1  }
0x11: {  	s4 =	simm.s32 $_scs_section_size  }
0x12: {  	s5 =	simm.s32 $_size__tile_overlayer_lowered;
	s6 =	simm.s32 $_tile_overlayer_lowered  }
0x13: {  	s23 =	simm.s32 $0x1BFF;
	s22 =	sshll.u32 s6, $0x1;
	s3 =	sadd.s32 s4, s20  }
0x14: {  	s7 =	simm.s32 $0x0;
	s21 =	sshll.u32 s5, $0x1;
	s5 =	sadd.s32 s22, s3  }
0x15: {  	[timem:s7], [sflag:s23] =	dma.local [hbm:s5], s21  }
0x16: {  	_ =	swait.ge [sflag:s23], s21  }
0x17: {  	s4 =	ssub.s32 $0x0, s21;
	[sflag:s23] =	ssyncset.done $0x0  }
0x18: {  	[sflag:s23] =	ssyncadd.s32 s4;
	_ =	sdelay $0x1  }
0x19: {  	s24 =	simm.s32 $0x1B8B  }
0x1a: {  	_ =	swait.ge [sflag:s24], $0x1  }
0x1b: {  	[sflag:s24] =	ssyncset.done $0x0  }
0x1c: {  	s26 =	simm.s32 $0x1B8E;
	s25 =	sld [smem:$0x3FFE];
	[sflag:s24] =	ssyncadd.s32 $0xFFFFFFFF  }
0x1d: {  	s27 =	simm.s32 $execute0_lowered;
	[smem:$0x3FD2] =	sst s26  }
0x1e: {  	s5 =	sshll.u32 s27, $0x1;
	_ =	strace $0x80000049;
	[dreg:$0x1] =	wrdreg $0xFFFFFFFF  }
0x1f: {  	s28 =	simm.s32 $_size_execute0_lowered;
	s3 =	sadd.s32 s3, s5;
	[dreg:$0x0] =	wrdreg $0x0  }
0x20: {  	s5 =	sshll.u32 s28, $0x1;
	[dreg:$0x2] =	wrdreg s3  }
0x21: {  	[dreg:$0x3] =	wrdreg s5  }
0x22: {  	[dreg:$0x4] =	wrdreg $0xC0  }
0x23: {  	_ =	task [dreg:s7], $0x5FFFF  }
0x24: {  	[dreg:$0x1] =	wrdreg $0xFFFFFFFF  }
0x25: {  	[dreg:$0x0] =	wrdreg $0x60  }
0x26: {  	[dreg:$0x2] =	wrdreg s25  }
0x27: {  	[dreg:$0x3] =	wrdreg s2  }
0x28: {  	[dreg:$0x4] =	wrdreg $0x9  }
0x29: {  	_ =	task.clear_ibuf [dreg:s7], $0x5FFFF;
	_ =	strace $0x90000049  }
0x2a: {  	s29 =	simm.s32 $0x9;
	_ =	strace $0x8000004B  }
0x2b: {  	_ =	swait.ge [sflag:s29], $0x1  }
0x2c: {  	[sflag:s29] =	ssyncadd.s32 $0xFFFFFFFF  }
0x2d: {  	_ =	strace $0x9000004B  }
0x2e: {  	_ =	sfence  }
0x2f: {  	s30 =	sld [smem:$0x0];
	_ =	sdelay $0x2  }
0x30: {  	s31 =	sshll.u32 s1, $0xD;
	s1 =	sshrl.u32 s1, $0x2  }
0x31: {  	s3 =	sand.u32 $0x4000, s31;
	s1 =	sadd.s32 s1, s30  }
0x32: {  	s0 =	sor.u32 s3, s0;
	s1 =	sshll.u32 s1, $0x11  }
0x33: {  	s0 =	sor.u32 s1, s0  }
0x34: {  	s0 =	sadd.s32 $0x8F2B, s0  }
0x35: {  	[sflag:s0] =	ssyncadd.remote.s32 $0x1  }
0x36: {  	_ =	sfence.sel $0xFFFF  }
0x37: {  	[dreg:$0x0] =	wrdreg $0xFFFFFFFF;
	(pc) =	sbr.abs _section_cstart, $3  }
0x38: {  	[dreg:$0x1] =	wrdreg $0xFFFFFFFF  }
0x39: {  	_ =	task.clear_ibuf [dreg:s7], $0x2FFFF;
	_ =	strace $0x9FFFFFFF  }
0x3a: {  	(tm) =	ssettm $0x7FFFFFFF  }
0x3b: {  	_ =	shalt  }
tec
execute0_lowered:
.L_overlay_start_1:
0x0: {  	(tag) =	ssettag $0x1  }
0x1: {  	s0 =	srdreg.scid  }
0x2: {  	s1 =	sshll.u32 s0, $0x4  }
0x3: {  	s0 =	stileid.u32;
	s1 =	sand.u32 $0x10, s1  }
0x4: {  	s1 =	sor.u32 s0, s1  }
0x5: {  	s6 =	rddreg [dreg:$0x0];
	s4 =	simm.s32 $0x1;
	s2 =	sshll.u32 s1, $0x7  }
0x6: {  	s7 =	simm.s32 $0x2;
	s12 =	simm.s32 $0x0;
	s1 =	ssub.s32 $0x1000, s2  }
0x7: {  	s8 =	simm.s32 $0x8000;
	s13 =	simm.s32 $0x0;
	s3 =	sand.u32 $0xF80, s1  }
0x8: {  	s9 =	simm.s32 $0x0;
	s5 =	sshrl.u32 s1, $0xC;
	p0 =	sne.s32 s3, $0x0  }
.Ltmp0:
0x9: {  	s1 =	rddreg [dreg:$0x2];
	s4 =	simm.s32 @!p0 $0x0;
	(pc) =	sbr.rel .LBB1_1-.Ltmp0, $4  }
0xa: {  	s11 =	simm.s32 $0x0;
	s3 =	rddreg [dreg:$0x1];
	s5 =	sadd.s32 s4, s5  }
0xb: {  	_ =	strace $0x8000004A;
	s4 =	simm.s32 $0x1;
	s5 =	smul.u32 $0xC8, s5  }
0xc: {  	s6 =	sadd.s32 $0x1A8000, s6;
	s10 =	smov.u32 s2;
	[sflag:s4] =	ssyncpa.u1 $0x0  }
0xd: {  	p0 =	por $0x0, $0x0;
	[sflag:s7] =	ssyncpa.u1 $0x0;
	s7 =	sor.u32 $0x1, s5  }
.LBB1_4:
0xe: {  	s16 =	sshll.u32 s13, $0x3;
	s17 =	sand.u32 $0x78, s13  }
0xf: {  	s30 =	sand.u32 $0x7E00, s13;
	s12 =	sshll.u32 s12, $0xF;
	s16 =	sand.u32 $0xC00, s16  }
0x10: {  	[tilespmem:s15+$0x810 ss:$0x81] =	vst.msk $0xffff, v2;
	s31 =	sand.u32 $0x7, s13;
	s16 =	sor.u32 s17, s16;
	s17 =	sadd.s32 s3, s30  }
0x11: {  	[tilespmem:s15+$0x1020 ss:$0x81] =	vst.msk $0xffff, v0;
	s13 =	sshll.u32 s31, $0x12;
	s12 =	sadd.s32 s12, s17;
	s16 =	sshrl.u32 s16, $0x3  }
0x12: {  	[tilespmem:s15+$0x0 ss:$0x81] =	vst.msk $0xffff, v1;
	s13 =	sor.u32 $0x400, s13;
	s12 =	sadd.s32 s16, s12  }
0x13: {  	[hbm4b:s12+s13] =	stream.strided.scatter [tilespmem:s14], [sflag:$0x2], $0x2000, s8, s13, $0x20;
	[tilespmem:$0x8080] =	vst v63  }
.LBB1_5:
0x14: {  	s14 =	sadd.s32 $0x1, s9  }
0x15: {  	s12 =	sadd.s32 $0x1000, s10;
	s16 =	smov.u32 s10;
	p2 =	sgt.s32 s14, $0xC7  }
0x16: {  	s16 =	smov.u32 @p2 s12  }
0x17: {  	s14 =	simm.s32 @p2 $0x0;
	p2 =	sgt.s32 s16, $0xFFF  }
0x18: {  	s16 =	smov.u32 @p2 s2;
	p2 =	sne.s32 s11, s7  }
.Ltmp1:
0x19: {  	p1 =	slt.u32 s11, $0x2;
	(pc) =	sbr.rel @!p2 .LBB1_6-.Ltmp1, $4  }
0x1a: {  	s15 =	simm.s32 @!p1 $0x2  }
0x1b: {  	s13 =	smov.u32 s10;
	p0 =	por !p0, !p0;
	_ =	swait.ge @!p1 [sflag:s15], $0x2000  }
0x1c: {  	s12 =	smov.u32 s9;
	[sflag:s15] =	ssyncset.done @!p1 $0x0;
	s9 =	smov.u32 s14  }
0x1d: {  	s11 =	sadd.s32 $0x1, s11;
	[sflag:s15] =	ssyncadd.s32 @!p1 $0xFFFFE000;
	s10 =	smov.u32 s16  }
.LBB1_1:
0x1e: {  	p1 =	sge.u32 s11, s5  }
0x1f: {  	s14 =	sand.u32 @!p1 $0x1FFFFFF, s9  }
0x20: {  	s15 =	smulhi.u32 @!p1 $0x147AE15, s14;
	_ =	sdelay $0x1  }
0x21: {  	s15 =	smul.u32 @!p1 $0xC8, s15  }
0x22: {  	s16 =	sxor.u32 @!p1 $0xFFFFFFFF, s11;
	s17 =	smul.u32 @!p1 $0xC80, s10  }
0x23: {  	s31 =	sadd.s32 $0xFFFFFFFF, s11;
	s16 =	sshll.u32 @!p1 s16, $0xD;
	s14 =	ssub.s32 @!p1 s14, s15  }
0x24: {  	s15 =	sand.u32 @!p1 $0x2000, s16;
	s16 =	sadd.s32 @!p1 s6, s17;
	s14 =	sshll.u32 @!p1 s14, $0x4  }
0x25: {  	s17 =	simm.s32 @!p1 $0x6400;
	s14 =	sadd.s32 @!p1 s14, s16;
	s16 =	simm.s32 @!p1 $0x40  }
0x26: {  	[tilespmem:s15], [sflag:$0x1] =	stream.strided.gather @!p1 [hbm4b:s14+s16], $0x2000, s17, s16, $0x38;
	[tilespmem:$0x8080] =	vst v63  }
0x27: {  	p1 =	sge.u32 s31, s5  }
.Ltmp2:
0x28: {  	_ = 	snop;
	(pc) =	sbr.rel @p1 .LBB1_5-.Ltmp2, $1  }
0x29: {  	_ =	sdelay $0x3  }
0x2a: {  	s14 =	simm.s32 $0x1  }
0x2b: {  	_ =	swait.ge [sflag:s4], $0x2000;
	s14 =	simm.s32 @!p0 $0x0  }
0x2c: {  	[sflag:s4] =	ssyncset.done $0x0;
	s15 =	sshll.u32 s14, $0xD  }
0x2d: {  	[sflag:s4] =	ssyncadd.s32 $0xFFFFE000;
	s18 =	sor.u32 $0x20, s15  }
0x2e: {  	s14 =	smul.u32 $0x8100, s14;
	v3 =	vld [tilespmem:s18+$0x10]  }
0x2f: {  	s30 =	sand.u32 $0x1, s11;
	v2 =	vld [tilespmem:s18+$0xFFFFFFF0]  }
0x30: {  	s15 =	smul.u32 $0x8100, s30;
	s14 =	sshrl.u32 s14, $0x2;
	v0 =	vld [tilespmem:s18+$0x0]  }
0x31: {  	v1 =	vld [tilespmem:s18+$0xFFFFFFE0];
	s16 =	sor.u32 $0x4000, s14  }
0x32: {  	s31 =	sshrl.u32 s15, $0x2;
	s15 =	sadd.s32 $0x0, s16  }
0x33: {  	s17 =	simm.s32 $0x4;
	s18 =	sadd.s32 $0x40, s18;
	s14 =	sor.u32 $0x4000, s31;
	[tilespmem:s15+$0x1830 ss:$0x81] =	vst.msk $0xffff, v3  }
.LBB1_3:
0x34: {  	v3 =	vld [tilespmem:s18+$0x10];
	p1 =	sne.s32 s17, $0x1FC;
	[tilespmem:s15+$0x810 ss:$0x81] =	vst.msk $0xffff, v2;
	s19 =	smov.u32 s17;
	s17 =	sadd.s32 $0x4, s17  }
.Ltmp3:
0x35: {  	v2 =	vld [tilespmem:s18+$0xFFFFFFF0];
	[tilespmem:s15+$0x1020 ss:$0x81] =	vst.msk $0xffff, v0;
	(pc) =	sbr.rel @p1 .LBB1_3-.Ltmp3, $4  }
0x36: {  	v0 =	vld [tilespmem:s18+$0x0];
	[tilespmem:s15+$0x0 ss:$0x81] =	vst.msk $0xffff, v1  }
0x37: {  	s15 =	sshra.s32 s19, $0x2;
	v1 =	vld [tilespmem:s18+$0xFFFFFFE0]  }
0x38: {  	s15 =	sadd.s32 s15, s16  }
0x39: {  	s18 =	sadd.s32 $0x40, s18;
	[tilespmem:s15+$0x1830 ss:$0x81] =	vst.msk $0xffff, v3  }
.Ltmp4:
0x3a: {  	_ = 	snop;
	(pc) =	sbr.rel .LBB1_4-.Ltmp4, $1  }
0x3b: {  	_ =	sdelay $0x3  }
.LBB1_6:
0x3c: {  	_ =	sfence.sel $0x180000  }
0x3d: {  	s2 =	simm.s32 $0x1;
	[bflag:$0x0] =	sbarrier.arrive $0xFFFF  }
0x3e: {  	s31 =	simm.s32 $0x2;
	[sflag:s2] =	ssyncpa.u1 $0x1  }
0x3f: {  	[sflag:s31] =	ssyncpa.u1 $0x1  }
0x40: {  	p0 =	sne.s32 s0, $0x0;
	_ =	strace $0x9000004A  }
0x41: {  	s0 =	sadd.s32 @!p0 $0x100000, s1;
	[bflag:$0x2] =	sbarrier.arrive $0xFFFF  }
0x42: {  	[sflag:s0] =	ssyncadd.tile.s32 @!p0 $0x1;
	_ =	shalt  }
.Lfunc_end1:
_tile_overlayer_lowered:
.L_overlay_start_2:
0x43: {  	(tag) =	ssettag $0x2  }
0x44: {  	s0 =	rddreg [dreg:$0x0];
	s2 =	stileid.u32  }
0x45: {  	s1 =	rddreg [dreg:$0x1];
	p0 =	sne.s32 s2, $0x0  }
0x46: {  	s3 =	rddreg [dreg:$0x2];
	[bflag:$0x3] =	sbarrier.arrive $0xFFFF;
	s2 =	simm.s32 @!p0 $0x1C01  }
0x47: {  	[timem:s3], [sflag:s2] =	dma.local @!p0 [hbm:s0], s1  }
0x48: {  	s0 =	simm.s32 @!p0 $0x1  }
0x49: {  	_ =	swait.ge @!p0 [sflag:s0], s1  }
0x4a: {  	s1 =	ssub.s32 @!p0 $0x0, s1;
	[sflag:s0] =	ssyncset.done @!p0 $0x0  }
0x4b: {  	[sflag:s0] =	ssyncadd.s32 @!p0 s1  }
0x4c: {  	[bflag:$0x3] =	sbarrier.arrive $0xFFFF  }
0x4d: {  	_ =	shalt  }

</sc_bundles>
